<compile_context>
chip_gen: v7x
topology: tpu7x:2x2x1
jax: 0.10.2.dev20260603
libtpu: 0.0.44.dev20260713+nightly
codegen_flags: <defaults>
</compile_context>

<pallas_src>
import functools

import jax
import jax.numpy as jnp
from jax import lax
from jax.experimental import pallas as pl
from jax.experimental.pallas import tpu as pltpu
from jax.experimental.pallas import tpu_sc as plsc

_B = 16384
_V = 100000
_D = 317
_DP = 384
_H1, _H2, _H3 = 1024, 512, 256

_NC, _NS = 2, 16
_NW = _NC * _NS
_BPW = _B // _NW
_CHUNK = 128
_NCHUNK = _BPW // _CHUNK


def _sc_gather(table, tailp, genre):
  mesh = plsc.VectorSubcoreMesh(core_axis_name="c", subcore_axis_name="s")

  @functools.partial(
      pl.kernel,
      mesh=mesh,
      out_type=jax.ShapeDtypeStruct((_B, _DP), jnp.float32),
      scratch_types=[
          pltpu.VMEM((_BPW,), jnp.int32),
          pltpu.VMEM((_CHUNK, _DP), jnp.float32),
          pltpu.VMEM((_CHUNK, _DP), jnp.float32),
          pltpu.SemaphoreType.DMA,
          pltpu.SemaphoreType.DMA,
      ],
  )
  def gather_kernel(table_hbm, tail_hbm, idx_hbm, out_hbm, idx_v,
                    buf0, buf1, sem0, sem1):
    wid = lax.axis_index("s") * _NC + lax.axis_index("c")
    base = wid * _BPW
    pltpu.sync_copy(idx_hbm.at[pl.ds(base, _BPW)], idx_v)

    bufs = (buf0, buf1)
    sems = (sem0, sem1)

    def fire(i, buf, sem):
      idx = idx_v.at[pl.ds(i * _CHUNK, _CHUNK)]
      a = pltpu.async_copy(table_hbm.at[idx, pl.ds(0, 128)],
                           buf.at[:, pl.ds(0, 128)], sem)
      b = pltpu.async_copy(table_hbm.at[idx, pl.ds(128, 128)],
                           buf.at[:, pl.ds(128, 128)], sem)
      c = pltpu.async_copy(tail_hbm.at[idx],
                           buf.at[:, pl.ds(256, 128)], sem)
      return (a, b, c)

    def drain(i, handles, buf):
      for h in handles:
        h.wait()
      pltpu.sync_copy(buf, out_hbm.at[pl.ds(base + i * _CHUNK, _CHUNK)])

    handles = [None, None]
    handles[0] = fire(0, bufs[0], sems[0])
    handles[1] = fire(1, bufs[1], sems[1])
    for i in range(_NCHUNK):
      drain(i, handles[i % 2], bufs[i % 2])
      nxt = i + 2
      if nxt < _NCHUNK:
        handles[nxt % 2] = fire(nxt, bufs[nxt % 2], sems[nxt % 2])

  return gather_kernel(table, tailp, genre)


_BM = 1024


def _tail_body(in_ref, out_ref):
  out_ref[...] = in_ref[...]


def _make_tail(table):
  grid = (_V // 10000,)
  return pl.pallas_call(
      _tail_body,
      grid=grid,
      in_specs=[pl.BlockSpec((10000, 128), lambda i: (i, 2))],
      out_specs=pl.BlockSpec((10000, 128), lambda i: (i, 0)),
      out_shape=jax.ShapeDtypeStruct((_V, 128), jnp.float32),
  )(table)


def _mlp_body(emb_ref, x_ref, w1_ref, b1_ref, w2_ref, b2_ref, w3_ref, b3_ref,
              out_ref):
  x = x_ref[...].astype(jnp.bfloat16)
  h = jnp.dot(x, w1_ref[...], preferred_element_type=jnp.float32) + b1_ref[...]
  h = jnp.maximum(h, 0.0)
  h = jnp.dot(h.astype(jnp.bfloat16), w2_ref[...],
              preferred_element_type=jnp.float32) + b2_ref[...]
  h = jnp.maximum(h, 0.0)
  h = jnp.dot(h.astype(jnp.bfloat16), w3_ref[...],
              preferred_element_type=jnp.float32) + b3_ref[...]
  m = jnp.max(h, axis=-1, keepdims=True)
  e = jnp.exp(h - m)
  p = e * (1.0 / jnp.sum(e, axis=-1, keepdims=True))
  out_ref[:, :_D] = emb_ref[:, :_D]
  out_ref[:, _D:] = p


def _tc_mlp(emb, feats, w1p, b1, w2, b2, w3, b3):
  grid = (_B // _BM,)
  return pl.pallas_call(
      _mlp_body,
      grid=grid,
      in_specs=[
          pl.BlockSpec((_BM, _DP), lambda i: (i, 0)),
          pl.BlockSpec((_BM, 8), lambda i: (i, 0)),
          pl.BlockSpec((8, _H1), lambda i: (0, 0)),
          pl.BlockSpec((1, _H1), lambda i: (0, 0)),
          pl.BlockSpec((_H1, _H2), lambda i: (0, 0)),
          pl.BlockSpec((1, _H2), lambda i: (0, 0)),
          pl.BlockSpec((_H2, _H3), lambda i: (0, 0)),
          pl.BlockSpec((1, _H3), lambda i: (0, 0)),
      ],
      out_specs=pl.BlockSpec((_BM, _D + _H3), lambda i: (i, 0)),
      out_shape=jax.ShapeDtypeStruct((_B, _D + _H3), jnp.float32),
  )(emb, feats, w1p, b1, w2, b2, w3, b3)


def kernel(anime_id, genre, type, episodes, general_rating, members, user_id,
           user_rating, table, W1, b1, W2, b2, W3, b3):
  tailp = _make_tail(table)
  emb = _sc_gather(table, tailp, genre)
  feats = jnp.stack(
      [anime_id, type, episodes, general_rating, members, user_id, user_rating,
       jnp.zeros_like(anime_id)], axis=-1)
  w1p = jnp.concatenate([W1, jnp.zeros((1, _H1), jnp.float32)],
                        axis=0).astype(jnp.bfloat16)
  return _tc_mlp(emb, feats,
                 w1p, b1.reshape(1, _H1),
                 W2.astype(jnp.bfloat16), b2.reshape(1, _H2),
                 W3.astype(jnp.bfloat16), b3.reshape(1, _H3))

# --- scband reference (transcript-rebuilt; emitter-appended) ---
"""Pipeline reference for scband-deep-model-17566416241397 (READ-ONLY COPY).

The authoritative reference and input builder live on the scoring server;
editing this copy changes nothing except your own understanding.
"""

import jax, jax.numpy as jnp
import numpy as np

B = 16384
V = 100000
D = 317  # ceil(sqrt(100000))


def setup_inputs(seed: int = 0) -> dict:
    key = jax.random.key(seed)
    ks = jax.random.split(key, 16)
    genre = jax.random.randint(ks[0], (B,), 0, V)
    anime_id = jax.random.uniform(ks[1], (B,), dtype=jnp.float32)
    type_ = jax.random.uniform(ks[2], (B,), dtype=jnp.float32)
    episodes = jax.random.uniform(ks[3], (B,), dtype=jnp.float32)
    general_rating = jax.random.uniform(ks[4], (B,), dtype=jnp.float32)
    members = jax.random.uniform(ks[5], (B,), dtype=jnp.float32)
    user_id = jax.random.uniform(ks[6], (B,), dtype=jnp.float32)
    user_rating = jax.random.uniform(ks[7], (B,), dtype=jnp.float32)
    table = jax.random.normal(ks[8], (V, D), dtype=jnp.float32) * 0.02
    W1 = jax.random.normal(ks[9], (7, 1024), dtype=jnp.float32) * 0.05
    b1 = jnp.zeros((1024,), dtype=jnp.float32)
    W2 = jax.random.normal(ks[10], (1024, 512), dtype=jnp.float32) * 0.05
    b2 = jnp.zeros((512,), dtype=jnp.float32)
    W3 = jax.random.normal(ks[11], (512, 256), dtype=jnp.float32) * 0.05
    b3 = jnp.zeros((256,), dtype=jnp.float32)
    return {
        "anime_id": anime_id, "genre": genre, "type": type_, "episodes": episodes,
        "general_rating": general_rating, "members": members, "user_id": user_id,
        "user_rating": user_rating, "table": table,
        "W1": W1, "b1": b1, "W2": W2, "b2": b2, "W3": W3, "b3": b3,
    }


def reference(anime_id, genre, type, episodes, general_rating, members, user_id,
              user_rating, table, W1, b1, W2, b2, W3, b3):
    # Embedding lookup: nn.Embedding(num_genre, ceil(sqrt(num_genre)))
    emb = jnp.take(table, genre, axis=0)  # [B, D]
    # 7 dense features -> Sequential(Linear(7,1024), ReLU, Linear(1024,512), ReLU, Linear(512,256), Softmax)
    feats = jnp.stack([anime_id, type, episodes, general_rating, members, user_id, user_rating], axis=-1)  # [B, 7]
    h = jnp.maximum(feats @ W1 + b1, 0.0)
    h = jnp.maximum(h @ W2 + b2, 0.0)
    h = jax.nn.softmax(h @ W3 + b3, axis=-1)  # [B, 256]
    return jnp.concatenate([emb, h], axis=-1)  # [B, D + 256]

if __name__ == "__main__":
    import jax
    _d = setup_inputs()
    print(jax.jit(kernel)(*tuple(_d.values())))

</pallas_src>

<mosaic_0001>
#map = affine_map<(d0, d1) -> (0, 0)>
#map1 = affine_map<(d0, d1) -> (0)>
module attributes {stable_mosaic.version = 14 : i64} {
  func.func @gather_kernel(%arg0: i32, %arg1: i32, %arg2: memref<100000x317xf32, #tpu.memory_space<hbm>>, %arg3: memref<100000x128xf32, #tpu.memory_space<hbm>>, %arg4: memref<16384xi32, #tpu.memory_space<hbm>>, %arg5: memref<16384x384xf32, #tpu.memory_space<hbm>>, %arg6: memref<512xi32, #tpu.memory_space<vmem>>, %arg7: memref<128x384xf32, #tpu.memory_space<vmem>>, %arg8: memref<128x384xf32, #tpu.memory_space<vmem>>, %arg9: memref<!tpu.dma_semaphore, #tpu.memory_space<semaphore_mem>>, %arg10: memref<!tpu.dma_semaphore, #tpu.memory_space<semaphore_mem>>) attributes {dimension_semantics = [#tpu.dimension_semantics<core_parallel>, #tpu.dimension_semantics<subcore_parallel>], iteration_bounds = array<i64: 2, 16>, scalar_prefetch = 0 : i64, scratch_operands = 5 : i64, tpu.core_type = #tpu.core_type<sc_vector_subcore>, window_params = [{transform_indices = #map}, {transform_indices = #map}, {transform_indices = #map1}, {transform_indices = #map}]} {
    %mul3A = arith.constant 2 : i32
    %mul3A_0 = arith.muli %arg1, %mul3A : i32
    %add3A = arith.addi %mul3A_0, %arg0 : i32
    %mul3A_1 = arith.constant 512 : i32
    %mul3A_2 = arith.muli %add3A, %mul3A_1 : i32
    "tpu.region"() ({
      %run_scoped3A = tpu.sem_alloc : memref<!tpu.dma_semaphore, #tpu.memory_space<semaphore_mem>>
      %dma_start3A_201 = tpu.memref_slice %arg4[%mul3A_2] : memref<16384xi32, #tpu.memory_space<hbm>> -> memref<512xi32, #tpu.memory_space<hbm>>
      %dma_start3A_202 = tpu.memref_slice %arg4[%mul3A_2] : memref<16384xi32, #tpu.memory_space<hbm>> -> memref<512xi32, #tpu.memory_space<hbm>>
      tpu.enqueue_dma source(%dma_start3A_202 : memref<512xi32, #tpu.memory_space<hbm>>) target(%arg6 : memref<512xi32, #tpu.memory_space<vmem>>) target_semaphore(%run_scoped3A : memref<!tpu.dma_semaphore, #tpu.memory_space<semaphore_mem>>)
      %dma_wait3A_203 = tpu.memref_slice %arg4[%mul3A_2] : memref<16384xi32, #tpu.memory_space<hbm>> -> memref<512xi32, #tpu.memory_space<hbm>>
      %dma_wait3A_204 = tpu.memref_slice %arg4[%mul3A_2] : memref<16384xi32, #tpu.memory_space<hbm>> -> memref<512xi32, #tpu.memory_space<hbm>>
      tpu.wait_dma2 semaphore(%run_scoped3A : memref<!tpu.dma_semaphore, #tpu.memory_space<semaphore_mem>>) src(%dma_wait3A_204 : memref<512xi32, #tpu.memory_space<hbm>>) dst(%arg6 : memref<512xi32, #tpu.memory_space<vmem>>)
      tpu.yield
    }) : () -> ()
    %dma_start3A = arith.constant 0 : i32
    %dma_start3A_3 = arith.constant 0 : i32
    %dma_start3A_4 = tpu.memref_slice %arg7[%dma_start3A, %dma_start3A_3] : memref<128x384xf32, #tpu.memory_space<vmem>> -> memref<128x128xf32, #tpu.memory_space<vmem>>
    %dma_start3A_5 = arith.constant 0 : i32
    %dma_start3A_6 = tpu.memref_slice %arg6[%dma_start3A_5] : memref<512xi32, #tpu.memory_space<vmem>> -> memref<128xi32, #tpu.memory_space<vmem>>
    %dma_start3A_7 = arith.constant 0 : i32
    %dma_start3A_8 = arith.constant 0 : i32
    %dma_start3A_9 = tpu.memref_slice %arg2[%dma_start3A_7, %dma_start3A_8] : memref<100000x317xf32, #tpu.memory_space<hbm>> -> memref<100000x128xf32, #tpu.memory_space<hbm>>
    tpu.enqueue_indirect_dma source(%dma_start3A_9 : memref<100000x128xf32, #tpu.memory_space<hbm>>) target(%dma_start3A_4 : memref<128x128xf32, #tpu.memory_space<vmem>>) offsets(%dma_start3A_6 : memref<128xi32, #tpu.memory_space<vmem>>) semaphore(%arg9 : memref<!tpu.dma_semaphore, #tpu.memory_space<semaphore_mem>>)
    %dma_start3A_10 = arith.constant 0 : i32
    %dma_start3A_11 = arith.constant 128 : i32
    %dma_start3A_12 = tpu.memref_slice %arg7[%dma_start3A_10, %dma_start3A_11] : memref<128x384xf32, #tpu.memory_space<vmem>> -> memref<128x128xf32, #tpu.memory_space<vmem>>
    %dma_start3A_13 = arith.constant 0 : i32
    %dma_start3A_14 = tpu.memref_slice %arg6[%dma_start3A_13] : memref<512xi32, #tpu.memory_space<vmem>> -> memref<128xi32, #tpu.memory_space<vmem>>
    %dma_start3A_15 = arith.constant 0 : i32
    %dma_start3A_16 = arith.constant 128 : i32
    %dma_start3A_17 = tpu.memref_slice %arg2[%dma_start3A_15, %dma_start3A_16] : memref<100000x317xf32, #tpu.memory_space<hbm>> -> memref<100000x128xf32, #tpu.memory_space<hbm>>
    tpu.enqueue_indirect_dma source(%dma_start3A_17 : memref<100000x128xf32, #tpu.memory_space<hbm>>) target(%dma_start3A_12 : memref<128x128xf32, #tpu.memory_space<vmem>>) offsets(%dma_start3A_14 : memref<128xi32, #tpu.memory_space<vmem>>) semaphore(%arg9 : memref<!tpu.dma_semaphore, #tpu.memory_space<semaphore_mem>>)
    %dma_start3A_18 = arith.constant 0 : i32
    %dma_start3A_19 = arith.constant 256 : i32
    %dma_start3A_20 = tpu.memref_slice %arg7[%dma_start3A_18, %dma_start3A_19] : memref<128x384xf32, #tpu.memory_space<vmem>> -> memref<128x128xf32, #tpu.memory_space<vmem>>
    %dma_start3A_21 = arith.constant 0 : i32
    %dma_start3A_22 = tpu.memref_slice %arg6[%dma_start3A_21] : memref<512xi32, #tpu.memory_space<vmem>> -> memref<128xi32, #tpu.memory_space<vmem>>
    %dma_start3A_23 = arith.constant 0 : i32
    %dma_start3A_24 = arith.constant 0 : i32
    %dma_start3A_25 = tpu.memref_slice %arg3[%dma_start3A_23, %dma_start3A_24] : memref<100000x128xf32, #tpu.memory_space<hbm>> -> memref<100000x128xf32, #tpu.memory_space<hbm>>
    tpu.enqueue_indirect_dma source(%dma_start3A_25 : memref<100000x128xf32, #tpu.memory_space<hbm>>) target(%dma_start3A_20 : memref<128x128xf32, #tpu.memory_space<vmem>>) offsets(%dma_start3A_22 : memref<128xi32, #tpu.memory_space<vmem>>) semaphore(%arg9 : memref<!tpu.dma_semaphore, #tpu.memory_space<semaphore_mem>>)
    %dma_start3A_26 = arith.constant 0 : i32
    %dma_start3A_27 = arith.constant 0 : i32
    %dma_start3A_28 = tpu.memref_slice %arg8[%dma_start3A_26, %dma_start3A_27] : memref<128x384xf32, #tpu.memory_space<vmem>> -> memref<128x128xf32, #tpu.memory_space<vmem>>
    %dma_start3A_29 = arith.constant 128 : i32
    %dma_start3A_30 = tpu.memref_slice %arg6[%dma_start3A_29] : memref<512xi32, #tpu.memory_space<vmem>> -> memref<128xi32, #tpu.memory_space<vmem>>
    %dma_start3A_31 = arith.constant 0 : i32
    %dma_start3A_32 = arith.constant 0 : i32
    %dma_start3A_33 = tpu.memref_slice %arg2[%dma_start3A_31, %dma_start3A_32] : memref<100000x317xf32, #tpu.memory_space<hbm>> -> memref<100000x128xf32, #tpu.memory_space<hbm>>
    tpu.enqueue_indirect_dma source(%dma_start3A_33 : memref<100000x128xf32, #tpu.memory_space<hbm>>) target(%dma_start3A_28 : memref<128x128xf32, #tpu.memory_space<vmem>>) offsets(%dma_start3A_30 : memref<128xi32, #tpu.memory_space<vmem>>) semaphore(%arg10 : memref<!tpu.dma_semaphore, #tpu.memory_space<semaphore_mem>>)
    %dma_start3A_34 = arith.constant 0 : i32
    %dma_start3A_35 = arith.constant 128 : i32
    %dma_start3A_36 = tpu.memref_slice %arg8[%dma_start3A_34, %dma_start3A_35] : memref<128x384xf32, #tpu.memory_space<vmem>> -> memref<128x128xf32, #tpu.memory_space<vmem>>
    %dma_start3A_37 = arith.constant 128 : i32
    %dma_start3A_38 = tpu.memref_slice %arg6[%dma_start3A_37] : memref<512xi32, #tpu.memory_space<vmem>> -> memref<128xi32, #tpu.memory_space<vmem>>
    %dma_start3A_39 = arith.constant 0 : i32
    %dma_start3A_40 = arith.constant 128 : i32
    %dma_start3A_41 = tpu.memref_slice %arg2[%dma_start3A_39, %dma_start3A_40] : memref<100000x317xf32, #tpu.memory_space<hbm>> -> memref<100000x128xf32, #tpu.memory_space<hbm>>
    tpu.enqueue_indirect_dma source(%dma_start3A_41 : memref<100000x128xf32, #tpu.memory_space<hbm>>) target(%dma_start3A_36 : memref<128x128xf32, #tpu.memory_space<vmem>>) offsets(%dma_start3A_38 : memref<128xi32, #tpu.memory_space<vmem>>) semaphore(%arg10 : memref<!tpu.dma_semaphore, #tpu.memory_space<semaphore_mem>>)
    %dma_start3A_42 = arith.constant 0 : i32
    %dma_start3A_43 = arith.constant 256 : i32
    %dma_start3A_44 = tpu.memref_slice %arg8[%dma_start3A_42, %dma_start3A_43] : memref<128x384xf32, #tpu.memory_space<vmem>> -> memref<128x128xf32, #tpu.memory_space<vmem>>
    %dma_start3A_45 = arith.constant 128 : i32
    %dma_start3A_46 = tpu.memref_slice %arg6[%dma_start3A_45] : memref<512xi32, #tpu.memory_space<vmem>> -> memref<128xi32, #tpu.memory_space<vmem>>
    %dma_start3A_47 = arith.constant 0 : i32
    %dma_start3A_48 = arith.constant 0 : i32
    %dma_start3A_49 = tpu.memref_slice %arg3[%dma_start3A_47, %dma_start3A_48] : memref<100000x128xf32, #tpu.memory_space<hbm>> -> memref<100000x128xf32, #tpu.memory_space<hbm>>
    tpu.enqueue_indirect_dma source(%dma_start3A_49 : memref<100000x128xf32, #tpu.memory_space<hbm>>) target(%dma_start3A_44 : memref<128x128xf32, #tpu.memory_space<vmem>>) offsets(%dma_start3A_46 : memref<128xi32, #tpu.memory_space<vmem>>) semaphore(%arg10 : memref<!tpu.dma_semaphore, #tpu.memory_space<semaphore_mem>>)
    %dma_wait3A = arith.constant 0 : i32
    %dma_wait3A_50 = arith.constant 0 : i32
    %dma_wait3A_51 = tpu.memref_slice %arg7[%dma_wait3A, %dma_wait3A_50] : memref<128x384xf32, #tpu.memory_space<vmem>> -> memref<128x128xf32, #tpu.memory_space<vmem>>
    %dma_wait3A_52 = arith.constant 0 : i32
    %dma_wait3A_53 = tpu.memref_slice %arg6[%dma_wait3A_52] : memref<512xi32, #tpu.memory_space<vmem>> -> memref<128xi32, #tpu.memory_space<vmem>>
    %dma_wait3A_54 = arith.constant 0 : i32
    %dma_wait3A_55 = arith.constant 0 : i32
    %dma_wait3A_56 = tpu.memref_slice %arg2[%dma_wait3A_54, %dma_wait3A_55] : memref<100000x317xf32, #tpu.memory_space<hbm>> -> memref<100000x128xf32, #tpu.memory_space<hbm>>
    tpu.wait_indirect_dma semaphore(%arg9 : memref<!tpu.dma_semaphore, #tpu.memory_space<semaphore_mem>>) src(%dma_wait3A_56 : memref<100000x128xf32, #tpu.memory_space<hbm>>) dst(%dma_wait3A_51 : memref<128x128xf32, #tpu.memory_space<vmem>>)
    %dma_wait3A_57 = arith.constant 0 : i32
    %dma_wait3A_58 = arith.constant 128 : i32
    %dma_wait3A_59 = tpu.memref_slice %arg7[%dma_wait3A_57, %dma_wait3A_58] : memref<128x384xf32, #tpu.memory_space<vmem>> -> memref<128x128xf32, #tpu.memory_space<vmem>>
    %dma_wait3A_60 = arith.constant 0 : i32
    %dma_wait3A_61 = tpu.memref_slice %arg6[%dma_wait3A_60] : memref<512xi32, #tpu.memory_space<vmem>> -> memref<128xi32, #tpu.memory_space<vmem>>
    %dma_wait3A_62 = arith.constant 0 : i32
    %dma_wait3A_63 = arith.constant 128 : i32
    %dma_wait3A_64 = tpu.memref_slice %arg2[%dma_wait3A_62, %dma_wait3A_63] : memref<100000x317xf32, #tpu.memory_space<hbm>> -> memref<100000x128xf32, #tpu.memory_space<hbm>>
    tpu.wait_indirect_dma semaphore(%arg9 : memref<!tpu.dma_semaphore, #tpu.memory_space<semaphore_mem>>) src(%dma_wait3A_64 : memref<100000x128xf32, #tpu.memory_space<hbm>>) dst(%dma_wait3A_59 : memref<128x128xf32, #tpu.memory_space<vmem>>)
    %dma_wait3A_65 = arith.constant 0 : i32
    %dma_wait3A_66 = arith.constant 256 : i32
    %dma_wait3A_67 = tpu.memref_slice %arg7[%dma_wait3A_65, %dma_wait3A_66] : memref<128x384xf32, #tpu.memory_space<vmem>> -> memref<128x128xf32, #tpu.memory_space<vmem>>
    %dma_wait3A_68 = arith.constant 0 : i32
    %dma_wait3A_69 = tpu.memref_slice %arg6[%dma_wait3A_68] : memref<512xi32, #tpu.memory_space<vmem>> -> memref<128xi32, #tpu.memory_space<vmem>>
    %dma_wait3A_70 = arith.constant 0 : i32
    %dma_wait3A_71 = arith.constant 0 : i32
    %dma_wait3A_72 = tpu.memref_slice %arg3[%dma_wait3A_70, %dma_wait3A_71] : memref<100000x128xf32, #tpu.memory_space<hbm>> -> memref<100000x128xf32, #tpu.memory_space<hbm>>
    tpu.wait_indirect_dma semaphore(%arg9 : memref<!tpu.dma_semaphore, #tpu.memory_space<semaphore_mem>>) src(%dma_wait3A_72 : memref<100000x128xf32, #tpu.memory_space<hbm>>) dst(%dma_wait3A_67 : memref<128x128xf32, #tpu.memory_space<vmem>>)
    %add3A_73 = arith.constant 0 : i32
    %add3A_74 = arith.addi %mul3A_2, %add3A_73 : i32
    "tpu.region"() ({
      %run_scoped3A = tpu.sem_alloc : memref<!tpu.dma_semaphore, #tpu.memory_space<semaphore_mem>>
      %dma_start3A_201 = arith.constant 0 : i32
      %dma_start3A_202 = tpu.memref_slice %arg5[%add3A_74, %dma_start3A_201] : memref<16384x384xf32, #tpu.memory_space<hbm>> -> memref<128x384xf32, #tpu.memory_space<hbm>>
      %dma_start3A_203 = arith.constant 0 : i32
      %dma_start3A_204 = tpu.memref_slice %arg5[%add3A_74, %dma_start3A_203] : memref<16384x384xf32, #tpu.memory_space<hbm>> -> memref<128x384xf32, #tpu.memory_space<hbm>>
      tpu.enqueue_dma source(%arg7 : memref<128x384xf32, #tpu.memory_space<vmem>>) target(%dma_start3A_204 : memref<128x384xf32, #tpu.memory_space<hbm>>) target_semaphore(%run_scoped3A : memref<!tpu.dma_semaphore, #tpu.memory_space<semaphore_mem>>)
      %dma_wait3A_205 = arith.constant 0 : i32
      %dma_wait3A_206 = tpu.memref_slice %arg5[%add3A_74, %dma_wait3A_205] : memref<16384x384xf32, #tpu.memory_space<hbm>> -> memref<128x384xf32, #tpu.memory_space<hbm>>
      %dma_wait3A_207 = arith.constant 0 : i32
      %dma_wait3A_208 = tpu.memref_slice %arg5[%add3A_74, %dma_wait3A_207] : memref<16384x384xf32, #tpu.memory_space<hbm>> -> memref<128x384xf32, #tpu.memory_space<hbm>>
      tpu.wait_dma2 semaphore(%run_scoped3A : memref<!tpu.dma_semaphore, #tpu.memory_space<semaphore_mem>>) src(%arg7 : memref<128x384xf32, #tpu.memory_space<vmem>>) dst(%dma_wait3A_208 : memref<128x384xf32, #tpu.memory_space<hbm>>)
      tpu.yield
    }) : () -> ()
    %dma_start3A_75 = arith.constant 0 : i32
    %dma_start3A_76 = arith.constant 0 : i32
    %dma_start3A_77 = tpu.memref_slice %arg7[%dma_start3A_75, %dma_start3A_76] : memref<128x384xf32, #tpu.memory_space<vmem>> -> memref<128x128xf32, #tpu.memory_space<vmem>>
    %dma_start3A_78 = arith.constant 256 : i32
    %dma_start3A_79 = tpu.memref_slice %arg6[%dma_start3A_78] : memref<512xi32, #tpu.memory_space<vmem>> -> memref<128xi32, #tpu.memory_space<vmem>>
    %dma_start3A_80 = arith.constant 0 : i32
    %dma_start3A_81 = arith.constant 0 : i32
    %dma_start3A_82 = tpu.memref_slice %arg2[%dma_start3A_80, %dma_start3A_81] : memref<100000x317xf32, #tpu.memory_space<hbm>> -> memref<100000x128xf32, #tpu.memory_space<hbm>>
    tpu.enqueue_indirect_dma source(%dma_start3A_82 : memref<100000x128xf32, #tpu.memory_space<hbm>>) target(%dma_start3A_77 : memref<128x128xf32, #tpu.memory_space<vmem>>) offsets(%dma_start3A_79 : memref<128xi32, #tpu.memory_space<vmem>>) semaphore(%arg9 : memref<!tpu.dma_semaphore, #tpu.memory_space<semaphore_mem>>)
    %dma_start3A_83 = arith.constant 0 : i32
    %dma_start3A_84 = arith.constant 128 : i32
    %dma_start3A_85 = tpu.memref_slice %arg7[%dma_start3A_83, %dma_start3A_84] : memref<128x384xf32, #tpu.memory_space<vmem>> -> memref<128x128xf32, #tpu.memory_space<vmem>>
    %dma_start3A_86 = arith.constant 256 : i32
    %dma_start3A_87 = tpu.memref_slice %arg6[%dma_start3A_86] : memref<512xi32, #tpu.memory_space<vmem>> -> memref<128xi32, #tpu.memory_space<vmem>>
    %dma_start3A_88 = arith.constant 0 : i32
    %dma_start3A_89 = arith.constant 128 : i32
    %dma_start3A_90 = tpu.memref_slice %arg2[%dma_start3A_88, %dma_start3A_89] : memref<100000x317xf32, #tpu.memory_space<hbm>> -> memref<100000x128xf32, #tpu.memory_space<hbm>>
    tpu.enqueue_indirect_dma source(%dma_start3A_90 : memref<100000x128xf32, #tpu.memory_space<hbm>>) target(%dma_start3A_85 : memref<128x128xf32, #tpu.memory_space<vmem>>) offsets(%dma_start3A_87 : memref<128xi32, #tpu.memory_space<vmem>>) semaphore(%arg9 : memref<!tpu.dma_semaphore, #tpu.memory_space<semaphore_mem>>)
    %dma_start3A_91 = arith.constant 0 : i32
    %dma_start3A_92 = arith.constant 256 : i32
    %dma_start3A_93 = tpu.memref_slice %arg7[%dma_start3A_91, %dma_start3A_92] : memref<128x384xf32, #tpu.memory_space<vmem>> -> memref<128x128xf32, #tpu.memory_space<vmem>>
    %dma_start3A_94 = arith.constant 256 : i32
    %dma_start3A_95 = tpu.memref_slice %arg6[%dma_start3A_94] : memref<512xi32, #tpu.memory_space<vmem>> -> memref<128xi32, #tpu.memory_space<vmem>>
    %dma_start3A_96 = arith.constant 0 : i32
    %dma_start3A_97 = arith.constant 0 : i32
    %dma_start3A_98 = tpu.memref_slice %arg3[%dma_start3A_96, %dma_start3A_97] : memref<100000x128xf32, #tpu.memory_space<hbm>> -> memref<100000x128xf32, #tpu.memory_space<hbm>>
    tpu.enqueue_indirect_dma source(%dma_start3A_98 : memref<100000x128xf32, #tpu.memory_space<hbm>>) target(%dma_start3A_93 : memref<128x128xf32, #tpu.memory_space<vmem>>) offsets(%dma_start3A_95 : memref<128xi32, #tpu.memory_space<vmem>>) semaphore(%arg9 : memref<!tpu.dma_semaphore, #tpu.memory_space<semaphore_mem>>)
    %dma_wait3A_99 = arith.constant 0 : i32
    %dma_wait3A_100 = arith.constant 0 : i32
    %dma_wait3A_101 = tpu.memref_slice %arg8[%dma_wait3A_99, %dma_wait3A_100] : memref<128x384xf32, #tpu.memory_space<vmem>> -> memref<128x128xf32, #tpu.memory_space<vmem>>
    %dma_wait3A_102 = arith.constant 128 : i32
    %dma_wait3A_103 = tpu.memref_slice %arg6[%dma_wait3A_102] : memref<512xi32, #tpu.memory_space<vmem>> -> memref<128xi32, #tpu.memory_space<vmem>>
    %dma_wait3A_104 = arith.constant 0 : i32
    %dma_wait3A_105 = arith.constant 0 : i32
    %dma_wait3A_106 = tpu.memref_slice %arg2[%dma_wait3A_104, %dma_wait3A_105] : memref<100000x317xf32, #tpu.memory_space<hbm>> -> memref<100000x128xf32, #tpu.memory_space<hbm>>
    tpu.wait_indirect_dma semaphore(%arg10 : memref<!tpu.dma_semaphore, #tpu.memory_space<semaphore_mem>>) src(%dma_wait3A_106 : memref<100000x128xf32, #tpu.memory_space<hbm>>) dst(%dma_wait3A_101 : memref<128x128xf32, #tpu.memory_space<vmem>>)
    %dma_wait3A_107 = arith.constant 0 : i32
    %dma_wait3A_108 = arith.constant 128 : i32
    %dma_wait3A_109 = tpu.memref_slice %arg8[%dma_wait3A_107, %dma_wait3A_108] : memref<128x384xf32, #tpu.memory_space<vmem>> -> memref<128x128xf32, #tpu.memory_space<vmem>>
    %dma_wait3A_110 = arith.constant 128 : i32
    %dma_wait3A_111 = tpu.memref_slice %arg6[%dma_wait3A_110] : memref<512xi32, #tpu.memory_space<vmem>> -> memref<128xi32, #tpu.memory_space<vmem>>
    %dma_wait3A_112 = arith.constant 0 : i32
    %dma_wait3A_113 = arith.constant 128 : i32
    %dma_wait3A_114 = tpu.memref_slice %arg2[%dma_wait3A_112, %dma_wait3A_113] : memref<100000x317xf32, #tpu.memory_space<hbm>> -> memref<100000x128xf32, #tpu.memory_space<hbm>>
    tpu.wait_indirect_dma semaphore(%arg10 : memref<!tpu.dma_semaphore, #tpu.memory_space<semaphore_mem>>) src(%dma_wait3A_114 : memref<100000x128xf32, #tpu.memory_space<hbm>>) dst(%dma_wait3A_109 : memref<128x128xf32, #tpu.memory_space<vmem>>)
    %dma_wait3A_115 = arith.constant 0 : i32
    %dma_wait3A_116 = arith.constant 256 : i32
    %dma_wait3A_117 = tpu.memref_slice %arg8[%dma_wait3A_115, %dma_wait3A_116] : memref<128x384xf32, #tpu.memory_space<vmem>> -> memref<128x128xf32, #tpu.memory_space<vmem>>
    %dma_wait3A_118 = arith.constant 128 : i32
    %dma_wait3A_119 = tpu.memref_slice %arg6[%dma_wait3A_118] : memref<512xi32, #tpu.memory_space<vmem>> -> memref<128xi32, #tpu.memory_space<vmem>>
    %dma_wait3A_120 = arith.constant 0 : i32
    %dma_wait3A_121 = arith.constant 0 : i32
    %dma_wait3A_122 = tpu.memref_slice %arg3[%dma_wait3A_120, %dma_wait3A_121] : memref<100000x128xf32, #tpu.memory_space<hbm>> -> memref<100000x128xf32, #tpu.memory_space<hbm>>
    tpu.wait_indirect_dma semaphore(%arg10 : memref<!tpu.dma_semaphore, #tpu.memory_space<semaphore_mem>>) src(%dma_wait3A_122 : memref<100000x128xf32, #tpu.memory_space<hbm>>) dst(%dma_wait3A_117 : memref<128x128xf32, #tpu.memory_space<vmem>>)
    %add3A_123 = arith.constant 128 : i32
    %add3A_124 = arith.addi %mul3A_2, %add3A_123 : i32
    "tpu.region"() ({
      %run_scoped3A = tpu.sem_alloc : memref<!tpu.dma_semaphore, #tpu.memory_space<semaphore_mem>>
      %dma_start3A_201 = arith.constant 0 : i32
      %dma_start3A_202 = tpu.memref_slice %arg5[%add3A_124, %dma_start3A_201] : memref<16384x384xf32, #tpu.memory_space<hbm>> -> memref<128x384xf32, #tpu.memory_space<hbm>>
      %dma_start3A_203 = arith.constant 0 : i32
      %dma_start3A_204 = tpu.memref_slice %arg5[%add3A_124, %dma_start3A_203] : memref<16384x384xf32, #tpu.memory_space<hbm>> -> memref<128x384xf32, #tpu.memory_space<hbm>>
      tpu.enqueue_dma source(%arg8 : memref<128x384xf32, #tpu.memory_space<vmem>>) target(%dma_start3A_204 : memref<128x384xf32, #tpu.memory_space<hbm>>) target_semaphore(%run_scoped3A : memref<!tpu.dma_semaphore, #tpu.memory_space<semaphore_mem>>)
      %dma_wait3A_205 = arith.constant 0 : i32
      %dma_wait3A_206 = tpu.memref_slice %arg5[%add3A_124, %dma_wait3A_205] : memref<16384x384xf32, #tpu.memory_space<hbm>> -> memref<128x384xf32, #tpu.memory_space<hbm>>
      %dma_wait3A_207 = arith.constant 0 : i32
      %dma_wait3A_208 = tpu.memref_slice %arg5[%add3A_124, %dma_wait3A_207] : memref<16384x384xf32, #tpu.memory_space<hbm>> -> memref<128x384xf32, #tpu.memory_space<hbm>>
      tpu.wait_dma2 semaphore(%run_scoped3A : memref<!tpu.dma_semaphore, #tpu.memory_space<semaphore_mem>>) src(%arg8 : memref<128x384xf32, #tpu.memory_space<vmem>>) dst(%dma_wait3A_208 : memref<128x384xf32, #tpu.memory_space<hbm>>)
      tpu.yield
    }) : () -> ()
    %dma_start3A_125 = arith.constant 0 : i32
    %dma_start3A_126 = arith.constant 0 : i32
    %dma_start3A_127 = tpu.memref_slice %arg8[%dma_start3A_125, %dma_start3A_126] : memref<128x384xf32, #tpu.memory_space<vmem>> -> memref<128x128xf32, #tpu.memory_space<vmem>>
    %dma_start3A_128 = arith.constant 384 : i32
    %dma_start3A_129 = tpu.memref_slice %arg6[%dma_start3A_128] : memref<512xi32, #tpu.memory_space<vmem>> -> memref<128xi32, #tpu.memory_space<vmem>>
    %dma_start3A_130 = arith.constant 0 : i32
    %dma_start3A_131 = arith.constant 0 : i32
    %dma_start3A_132 = tpu.memref_slice %arg2[%dma_start3A_130, %dma_start3A_131] : memref<100000x317xf32, #tpu.memory_space<hbm>> -> memref<100000x128xf32, #tpu.memory_space<hbm>>
    tpu.enqueue_indirect_dma source(%dma_start3A_132 : memref<100000x128xf32, #tpu.memory_space<hbm>>) target(%dma_start3A_127 : memref<128x128xf32, #tpu.memory_space<vmem>>) offsets(%dma_start3A_129 : memref<128xi32, #tpu.memory_space<vmem>>) semaphore(%arg10 : memref<!tpu.dma_semaphore, #tpu.memory_space<semaphore_mem>>)
    %dma_start3A_133 = arith.constant 0 : i32
    %dma_start3A_134 = arith.constant 128 : i32
    %dma_start3A_135 = tpu.memref_slice %arg8[%dma_start3A_133, %dma_start3A_134] : memref<128x384xf32, #tpu.memory_space<vmem>> -> memref<128x128xf32, #tpu.memory_space<vmem>>
    %dma_start3A_136 = arith.constant 384 : i32
    %dma_start3A_137 = tpu.memref_slice %arg6[%dma_start3A_136] : memref<512xi32, #tpu.memory_space<vmem>> -> memref<128xi32, #tpu.memory_space<vmem>>
    %dma_start3A_138 = arith.constant 0 : i32
    %dma_start3A_139 = arith.constant 128 : i32
    %dma_start3A_140 = tpu.memref_slice %arg2[%dma_start3A_138, %dma_start3A_139] : memref<100000x317xf32, #tpu.memory_space<hbm>> -> memref<100000x128xf32, #tpu.memory_space<hbm>>
    tpu.enqueue_indirect_dma source(%dma_start3A_140 : memref<100000x128xf32, #tpu.memory_space<hbm>>) target(%dma_start3A_135 : memref<128x128xf32, #tpu.memory_space<vmem>>) offsets(%dma_start3A_137 : memref<128xi32, #tpu.memory_space<vmem>>) semaphore(%arg10 : memref<!tpu.dma_semaphore, #tpu.memory_space<semaphore_mem>>)
    %dma_start3A_141 = arith.constant 0 : i32
    %dma_start3A_142 = arith.constant 256 : i32
    %dma_start3A_143 = tpu.memref_slice %arg8[%dma_start3A_141, %dma_start3A_142] : memref<128x384xf32, #tpu.memory_space<vmem>> -> memref<128x128xf32, #tpu.memory_space<vmem>>
    %dma_start3A_144 = arith.constant 384 : i32
    %dma_start3A_145 = tpu.memref_slice %arg6[%dma_start3A_144] : memref<512xi32, #tpu.memory_space<vmem>> -> memref<128xi32, #tpu.memory_space<vmem>>
    %dma_start3A_146 = arith.constant 0 : i32
    %dma_start3A_147 = arith.constant 0 : i32
    %dma_start3A_148 = tpu.memref_slice %arg3[%dma_start3A_146, %dma_start3A_147] : memref<100000x128xf32, #tpu.memory_space<hbm>> -> memref<100000x128xf32, #tpu.memory_space<hbm>>
    tpu.enqueue_indirect_dma source(%dma_start3A_148 : memref<100000x128xf32, #tpu.memory_space<hbm>>) target(%dma_start3A_143 : memref<128x128xf32, #tpu.memory_space<vmem>>) offsets(%dma_start3A_145 : memref<128xi32, #tpu.memory_space<vmem>>) semaphore(%arg10 : memref<!tpu.dma_semaphore, #tpu.memory_space<semaphore_mem>>)
    %dma_wait3A_149 = arith.constant 0 : i32
    %dma_wait3A_150 = arith.constant 0 : i32
    %dma_wait3A_151 = tpu.memref_slice %arg7[%dma_wait3A_149, %dma_wait3A_150] : memref<128x384xf32, #tpu.memory_space<vmem>> -> memref<128x128xf32, #tpu.memory_space<vmem>>
    %dma_wait3A_152 = arith.constant 256 : i32
    %dma_wait3A_153 = tpu.memref_slice %arg6[%dma_wait3A_152] : memref<512xi32, #tpu.memory_space<vmem>> -> memref<128xi32, #tpu.memory_space<vmem>>
    %dma_wait3A_154 = arith.constant 0 : i32
    %dma_wait3A_155 = arith.constant 0 : i32
    %dma_wait3A_156 = tpu.memref_slice %arg2[%dma_wait3A_154, %dma_wait3A_155] : memref<100000x317xf32, #tpu.memory_space<hbm>> -> memref<100000x128xf32, #tpu.memory_space<hbm>>
    tpu.wait_indirect_dma semaphore(%arg9 : memref<!tpu.dma_semaphore, #tpu.memory_space<semaphore_mem>>) src(%dma_wait3A_156 : memref<100000x128xf32, #tpu.memory_space<hbm>>) dst(%dma_wait3A_151 : memref<128x128xf32, #tpu.memory_space<vmem>>)
    %dma_wait3A_157 = arith.constant 0 : i32
    %dma_wait3A_158 = arith.constant 128 : i32
    %dma_wait3A_159 = tpu.memref_slice %arg7[%dma_wait3A_157, %dma_wait3A_158] : memref<128x384xf32, #tpu.memory_space<vmem>> -> memref<128x128xf32, #tpu.memory_space<vmem>>
    %dma_wait3A_160 = arith.constant 256 : i32
    %dma_wait3A_161 = tpu.memref_slice %arg6[%dma_wait3A_160] : memref<512xi32, #tpu.memory_space<vmem>> -> memref<128xi32, #tpu.memory_space<vmem>>
    %dma_wait3A_162 = arith.constant 0 : i32
    %dma_wait3A_163 = arith.constant 128 : i32
    %dma_wait3A_164 = tpu.memref_slice %arg2[%dma_wait3A_162, %dma_wait3A_163] : memref<100000x317xf32, #tpu.memory_space<hbm>> -> memref<100000x128xf32, #tpu.memory_space<hbm>>
    tpu.wait_indirect_dma semaphore(%arg9 : memref<!tpu.dma_semaphore, #tpu.memory_space<semaphore_mem>>) src(%dma_wait3A_164 : memref<100000x128xf32, #tpu.memory_space<hbm>>) dst(%dma_wait3A_159 : memref<128x128xf32, #tpu.memory_space<vmem>>)
    %dma_wait3A_165 = arith.constant 0 : i32
    %dma_wait3A_166 = arith.constant 256 : i32
    %dma_wait3A_167 = tpu.memref_slice %arg7[%dma_wait3A_165, %dma_wait3A_166] : memref<128x384xf32, #tpu.memory_space<vmem>> -> memref<128x128xf32, #tpu.memory_space<vmem>>
    %dma_wait3A_168 = arith.constant 256 : i32
    %dma_wait3A_169 = tpu.memref_slice %arg6[%dma_wait3A_168] : memref<512xi32, #tpu.memory_space<vmem>> -> memref<128xi32, #tpu.memory_space<vmem>>
    %dma_wait3A_170 = arith.constant 0 : i32
    %dma_wait3A_171 = arith.constant 0 : i32
    %dma_wait3A_172 = tpu.memref_slice %arg3[%dma_wait3A_170, %dma_wait3A_171] : memref<100000x128xf32, #tpu.memory_space<hbm>> -> memref<100000x128xf32, #tpu.memory_space<hbm>>
    tpu.wait_indirect_dma semaphore(%arg9 : memref<!tpu.dma_semaphore, #tpu.memory_space<semaphore_mem>>) src(%dma_wait3A_172 : memref<100000x128xf32, #tpu.memory_space<hbm>>) dst(%dma_wait3A_167 : memref<128x128xf32, #tpu.memory_space<vmem>>)
    %add3A_173 = arith.constant 256 : i32
    %add3A_174 = arith.addi %mul3A_2, %add3A_173 : i32
    "tpu.region"() ({
      %run_scoped3A = tpu.sem_alloc : memref<!tpu.dma_semaphore, #tpu.memory_space<semaphore_mem>>
      %dma_start3A_201 = arith.constant 0 : i32
      %dma_start3A_202 = tpu.memref_slice %arg5[%add3A_174, %dma_start3A_201] : memref<16384x384xf32, #tpu.memory_space<hbm>> -> memref<128x384xf32, #tpu.memory_space<hbm>>
      %dma_start3A_203 = arith.constant 0 : i32
      %dma_start3A_204 = tpu.memref_slice %arg5[%add3A_174, %dma_start3A_203] : memref<16384x384xf32, #tpu.memory_space<hbm>> -> memref<128x384xf32, #tpu.memory_space<hbm>>
      tpu.enqueue_dma source(%arg7 : memref<128x384xf32, #tpu.memory_space<vmem>>) target(%dma_start3A_204 : memref<128x384xf32, #tpu.memory_space<hbm>>) target_semaphore(%run_scoped3A : memref<!tpu.dma_semaphore, #tpu.memory_space<semaphore_mem>>)
      %dma_wait3A_205 = arith.constant 0 : i32
      %dma_wait3A_206 = tpu.memref_slice %arg5[%add3A_174, %dma_wait3A_205] : memref<16384x384xf32, #tpu.memory_space<hbm>> -> memref<128x384xf32, #tpu.memory_space<hbm>>
      %dma_wait3A_207 = arith.constant 0 : i32
      %dma_wait3A_208 = tpu.memref_slice %arg5[%add3A_174, %dma_wait3A_207] : memref<16384x384xf32, #tpu.memory_space<hbm>> -> memref<128x384xf32, #tpu.memory_space<hbm>>
      tpu.wait_dma2 semaphore(%run_scoped3A : memref<!tpu.dma_semaphore, #tpu.memory_space<semaphore_mem>>) src(%arg7 : memref<128x384xf32, #tpu.memory_space<vmem>>) dst(%dma_wait3A_208 : memref<128x384xf32, #tpu.memory_space<hbm>>)
      tpu.yield
    }) : () -> ()
    %dma_wait3A_175 = arith.constant 0 : i32
    %dma_wait3A_176 = arith.constant 0 : i32
    %dma_wait3A_177 = tpu.memref_slice %arg8[%dma_wait3A_175, %dma_wait3A_176] : memref<128x384xf32, #tpu.memory_space<vmem>> -> memref<128x128xf32, #tpu.memory_space<vmem>>
    %dma_wait3A_178 = arith.constant 384 : i32
    %dma_wait3A_179 = tpu.memref_slice %arg6[%dma_wait3A_178] : memref<512xi32, #tpu.memory_space<vmem>> -> memref<128xi32, #tpu.memory_space<vmem>>
    %dma_wait3A_180 = arith.constant 0 : i32
    %dma_wait3A_181 = arith.constant 0 : i32
    %dma_wait3A_182 = tpu.memref_slice %arg2[%dma_wait3A_180, %dma_wait3A_181] : memref<100000x317xf32, #tpu.memory_space<hbm>> -> memref<100000x128xf32, #tpu.memory_space<hbm>>
    tpu.wait_indirect_dma semaphore(%arg10 : memref<!tpu.dma_semaphore, #tpu.memory_space<semaphore_mem>>) src(%dma_wait3A_182 : memref<100000x128xf32, #tpu.memory_space<hbm>>) dst(%dma_wait3A_177 : memref<128x128xf32, #tpu.memory_space<vmem>>)
    %dma_wait3A_183 = arith.constant 0 : i32
    %dma_wait3A_184 = arith.constant 128 : i32
    %dma_wait3A_185 = tpu.memref_slice %arg8[%dma_wait3A_183, %dma_wait3A_184] : memref<128x384xf32, #tpu.memory_space<vmem>> -> memref<128x128xf32, #tpu.memory_space<vmem>>
    %dma_wait3A_186 = arith.constant 384 : i32
    %dma_wait3A_187 = tpu.memref_slice %arg6[%dma_wait3A_186] : memref<512xi32, #tpu.memory_space<vmem>> -> memref<128xi32, #tpu.memory_space<vmem>>
    %dma_wait3A_188 = arith.constant 0 : i32
    %dma_wait3A_189 = arith.constant 128 : i32
    %dma_wait3A_190 = tpu.memref_slice %arg2[%dma_wait3A_188, %dma_wait3A_189] : memref<100000x317xf32, #tpu.memory_space<hbm>> -> memref<100000x128xf32, #tpu.memory_space<hbm>>
    tpu.wait_indirect_dma semaphore(%arg10 : memref<!tpu.dma_semaphore, #tpu.memory_space<semaphore_mem>>) src(%dma_wait3A_190 : memref<100000x128xf32, #tpu.memory_space<hbm>>) dst(%dma_wait3A_185 : memref<128x128xf32, #tpu.memory_space<vmem>>)
    %dma_wait3A_191 = arith.constant 0 : i32
    %dma_wait3A_192 = arith.constant 256 : i32
    %dma_wait3A_193 = tpu.memref_slice %arg8[%dma_wait3A_191, %dma_wait3A_192] : memref<128x384xf32, #tpu.memory_space<vmem>> -> memref<128x128xf32, #tpu.memory_space<vmem>>
    %dma_wait3A_194 = arith.constant 384 : i32
    %dma_wait3A_195 = tpu.memref_slice %arg6[%dma_wait3A_194] : memref<512xi32, #tpu.memory_space<vmem>> -> memref<128xi32, #tpu.memory_space<vmem>>
    %dma_wait3A_196 = arith.constant 0 : i32
    %dma_wait3A_197 = arith.constant 0 : i32
    %dma_wait3A_198 = tpu.memref_slice %arg3[%dma_wait3A_196, %dma_wait3A_197] : memref<100000x128xf32, #tpu.memory_space<hbm>> -> memref<100000x128xf32, #tpu.memory_space<hbm>>
    tpu.wait_indirect_dma semaphore(%arg10 : memref<!tpu.dma_semaphore, #tpu.memory_space<semaphore_mem>>) src(%dma_wait3A_198 : memref<100000x128xf32, #tpu.memory_space<hbm>>) dst(%dma_wait3A_193 : memref<128x128xf32, #tpu.memory_space<vmem>>)
    %add3A_199 = arith.constant 384 : i32
    %add3A_200 = arith.addi %mul3A_2, %add3A_199 : i32
    "tpu.region"() ({
      %run_scoped3A = tpu.sem_alloc : memref<!tpu.dma_semaphore, #tpu.memory_space<semaphore_mem>>
      %dma_start3A_201 = arith.constant 0 : i32
      %dma_start3A_202 = tpu.memref_slice %arg5[%add3A_200, %dma_start3A_201] : memref<16384x384xf32, #tpu.memory_space<hbm>> -> memref<128x384xf32, #tpu.memory_space<hbm>>
      %dma_start3A_203 = arith.constant 0 : i32
      %dma_start3A_204 = tpu.memref_slice %arg5[%add3A_200, %dma_start3A_203] : memref<16384x384xf32, #tpu.memory_space<hbm>> -> memref<128x384xf32, #tpu.memory_space<hbm>>
      tpu.enqueue_dma source(%arg8 : memref<128x384xf32, #tpu.memory_space<vmem>>) target(%dma_start3A_204 : memref<128x384xf32, #tpu.memory_space<hbm>>) target_semaphore(%run_scoped3A : memref<!tpu.dma_semaphore, #tpu.memory_space<semaphore_mem>>)
      %dma_wait3A_205 = arith.constant 0 : i32
      %dma_wait3A_206 = tpu.memref_slice %arg5[%add3A_200, %dma_wait3A_205] : memref<16384x384xf32, #tpu.memory_space<hbm>> -> memref<128x384xf32, #tpu.memory_space<hbm>>
      %dma_wait3A_207 = arith.constant 0 : i32
      %dma_wait3A_208 = tpu.memref_slice %arg5[%add3A_200, %dma_wait3A_207] : memref<16384x384xf32, #tpu.memory_space<hbm>> -> memref<128x384xf32, #tpu.memory_space<hbm>>
      tpu.wait_dma2 semaphore(%run_scoped3A : memref<!tpu.dma_semaphore, #tpu.memory_space<semaphore_mem>>) src(%arg8 : memref<128x384xf32, #tpu.memory_space<vmem>>) dst(%dma_wait3A_208 : memref<128x384xf32, #tpu.memory_space<hbm>>)
      tpu.yield
    }) : () -> ()
    return
  }
}

module attributes {stable_mosaic.version = 14 : i64} {
  func.func @_tail_body(%arg0: i32, %arg1: memref<10000x128xf32, #tpu.memory_space<vmem>>, %arg2: memref<10000x128xf32, #tpu.memory_space<vmem>>) attributes {dimension_semantics = [#tpu.dimension_semantics<arbitrary>], iteration_bounds = array<i64: 10>, scalar_prefetch = 0 : i64, scratch_operands = 0 : i64, tpu.core_type = #tpu.core_type<tc>, window_params = [{transform_indices = @transform_0, window_bounds = array<i64: 10000, 128>}, {transform_indices = @transform_1, window_bounds = array<i64: 10000, 128>}]} {
    %get3A = arith.constant 0 : index
    %get3A_0 = arith.constant 0 : index
    %get3A_1 = vector.load %arg1[%get3A, %get3A_0] : memref<10000x128xf32, #tpu.memory_space<vmem>>, vector<10000x128xf32>
    %swap3A = arith.constant 0 : index
    %swap3A_2 = arith.constant 0 : index
    %swap3A_3 = vector.load %arg2[%swap3A, %swap3A_2] : memref<10000x128xf32, #tpu.memory_space<vmem>>, vector<10000x128xf32>
    tpu.vector_store %arg2[%swap3A, %swap3A_2], %get3A_1 {strides = array<i32>} : memref<10000x128xf32, #tpu.memory_space<vmem>>, vector<10000x128xf32>,
    return
  }
  func.func @transform_0(%arg0: i32) -> (i32, i32) {
    %c2_i32 = arith.constant 2 : i32
    %c0_i32 = arith.constant 0 : i32
    return %arg0, %c2_i32 : i32, i32
  }
  func.func @transform_1(%arg0: i32) -> (i32, i32) {
    %c0_i32 = arith.constant 0 : i32
    %c0_i32_0 = arith.constant 0 : i32
    return %arg0, %c0_i32 : i32, i32
  }
}

module attributes {stable_mosaic.version = 14 : i64} {
  func.func @_mlp_body(%arg0: i32, %arg1: memref<1024x384xf32, #tpu.memory_space<vmem>>, %arg2: memref<1024x8xf32, #tpu.memory_space<vmem>>, %arg3: memref<8x1024xbf16, #tpu.memory_space<vmem>>, %arg4: memref<1x1024xf32, #tpu.memory_space<vmem>>, %arg5: memref<1024x512xbf16, #tpu.memory_space<vmem>>, %arg6: memref<1x512xf32, #tpu.memory_space<vmem>>, %arg7: memref<512x256xbf16, #tpu.memory_space<vmem>>, %arg8: memref<1x256xf32, #tpu.memory_space<vmem>>, %arg9: memref<1024x573xf32, #tpu.memory_space<vmem>>) attributes {dimension_semantics = [#tpu.dimension_semantics<arbitrary>], iteration_bounds = array<i64: 16>, scalar_prefetch = 0 : i64, scratch_operands = 0 : i64, tpu.core_type = #tpu.core_type<tc>, window_params = [{transform_indices = @transform_0, window_bounds = array<i64: 1024, 384>}, {transform_indices = @transform_1, window_bounds = array<i64: 1024, 8>}, {pipeline_mode = #tpu.pipeline_mode<synchronous>, transform_indices = @transform_2, window_bounds = array<i64: 8, 1024>}, {pipeline_mode = #tpu.pipeline_mode<synchronous>, transform_indices = @transform_3, window_bounds = array<i64: 1, 1024>}, {pipeline_mode = #tpu.pipeline_mode<synchronous>, transform_indices = @transform_4, window_bounds = array<i64: 1024, 512>}, {pipeline_mode = #tpu.pipeline_mode<synchronous>, transform_indices = @transform_5, window_bounds = array<i64: 1, 512>}, {pipeline_mode = #tpu.pipeline_mode<synchronous>, transform_indices = @transform_6, window_bounds = array<i64: 512, 256>}, {pipeline_mode = #tpu.pipeline_mode<synchronous>, transform_indices = @transform_7, window_bounds = array<i64: 1, 256>}, {transform_indices = @transform_8, window_bounds = array<i64: 1024, 573>}]} {
    %get3A = arith.constant 0 : index
    %get3A_0 = arith.constant 0 : index
    %get3A_1 = vector.load %arg2[%get3A, %get3A_0] : memref<1024x8xf32, #tpu.memory_space<vmem>>, vector<1024x8xf32>
    %convert_element_type3A = arith.truncf %get3A_1 : vector<1024x8xf32> to vector<1024x8xbf16>
    %get3A_2 = arith.constant 0 : index
    %get3A_3 = arith.constant 0 : index
    %get3A_4 = vector.load %arg3[%get3A_2, %get3A_3] : memref<8x1024xbf16, #tpu.memory_space<vmem>>, vector<8x1024xbf16>
    %dot_general3A = arith.constant dense<0.000000e+00> : vector<1024x1024xf32>
    %dot_general3A_5 = tpu.matmul %convert_element_type3A, %get3A_4, %dot_general3A {dimension_numbers = #tpu.dot_dimension_numbers<[1], [0], [0], [1], [0, 0, 1, 1], [], []>, transpose_lhs_hint = false} : vector<1024x8xbf16>, vector<8x1024xbf16>, vector<1024x1024xf32> -> vector<1024x1024xf32>
    %get3A_6 = arith.constant 0 : index
    %get3A_7 = arith.constant 0 : index
    %get3A_8 = vector.load %arg4[%get3A_6, %get3A_7] : memref<1x1024xf32, #tpu.memory_space<vmem>>, vector<1x1024xf32>
    %add3A = vector.broadcast %get3A_8 : vector<1x1024xf32> to vector<1024x1024xf32>
    %add3A_9 = arith.addf %dot_general3A_5, %add3A : vector<1024x1024xf32>
    %max3A = arith.constant 0.000000e+00 : f32
    %max3A_10 = vector.broadcast %max3A : f32 to vector<1024x1024xf32>
    %max3A_11 = arith.maximumf %add3A_9, %max3A_10 : vector<1024x1024xf32>
    %convert_element_type3A_12 = arith.truncf %max3A_11 : vector<1024x1024xf32> to vector<1024x1024xbf16>
    %get3A_13 = arith.constant 0 : index
    %get3A_14 = arith.constant 0 : index
    %get3A_15 = vector.load %arg5[%get3A_13, %get3A_14] : memref<1024x512xbf16, #tpu.memory_space<vmem>>, vector<1024x512xbf16>
    %dot_general3A_16 = arith.constant dense<0.000000e+00> : vector<1024x512xf32>
    %dot_general3A_17 = tpu.matmul %convert_element_type3A_12, %get3A_15, %dot_general3A_16 {dimension_numbers = #tpu.dot_dimension_numbers<[1], [0], [0], [1], [0, 0, 1, 1], [], []>, transpose_lhs_hint = false} : vector<1024x1024xbf16>, vector<1024x512xbf16>, vector<1024x512xf32> -> vector<1024x512xf32>
    %get3A_18 = arith.constant 0 : index
    %get3A_19 = arith.constant 0 : index
    %get3A_20 = vector.load %arg6[%get3A_18, %get3A_19] : memref<1x512xf32, #tpu.memory_space<vmem>>, vector<1x512xf32>
    %add3A_21 = vector.broadcast %get3A_20 : vector<1x512xf32> to vector<1024x512xf32>
    %add3A_22 = arith.addf %dot_general3A_17, %add3A_21 : vector<1024x512xf32>
    %max3A_23 = arith.constant 0.000000e+00 : f32
    %max3A_24 = vector.broadcast %max3A_23 : f32 to vector<1024x512xf32>
    %max3A_25 = arith.maximumf %add3A_22, %max3A_24 : vector<1024x512xf32>
    %convert_element_type3A_26 = arith.truncf %max3A_25 : vector<1024x512xf32> to vector<1024x512xbf16>
    %get3A_27 = arith.constant 0 : index
    %get3A_28 = arith.constant 0 : index
    %get3A_29 = vector.load %arg7[%get3A_27, %get3A_28] : memref<512x256xbf16, #tpu.memory_space<vmem>>, vector<512x256xbf16>
    %dot_general3A_30 = arith.constant dense<0.000000e+00> : vector<1024x256xf32>
    %dot_general3A_31 = tpu.matmul %convert_element_type3A_26, %get3A_29, %dot_general3A_30 {dimension_numbers = #tpu.dot_dimension_numbers<[1], [0], [0], [1], [0, 0, 1, 1], [], []>, transpose_lhs_hint = false} : vector<1024x512xbf16>, vector<512x256xbf16>, vector<1024x256xf32> -> vector<1024x256xf32>
    %get3A_32 = arith.constant 0 : index
    %get3A_33 = arith.constant 0 : index
    %get3A_34 = vector.load %arg8[%get3A_32, %get3A_33] : memref<1x256xf32, #tpu.memory_space<vmem>>, vector<1x256xf32>
    %add3A_35 = vector.broadcast %get3A_34 : vector<1x256xf32> to vector<1024x256xf32>
    %add3A_36 = arith.addf %dot_general3A_31, %add3A_35 : vector<1024x256xf32>
    %reduce_max3A = arith.constant dense<0xFF800000> : vector<1024xf32>
    %reduce_max3A_37 = vector.multi_reduction <maximumf>, %add3A_36, %reduce_max3A [1] : vector<1024x256xf32> to vector<1024xf32>
    %broadcast_in_dim3A = vector.shape_cast %reduce_max3A_37 : vector<1024xf32> to vector<1024x1xf32>
    %sub3A = vector.broadcast %broadcast_in_dim3A : vector<1024x1xf32> to vector<1024x256xf32>
    %sub3A_38 = arith.subf %add3A_36, %sub3A : vector<1024x256xf32>
    %exp3A = math.exp %sub3A_38 : vector<1024x256xf32>
    %reduce_sum3A = arith.constant dense<0.000000e+00> : vector<1024xf32>
    %reduce_sum3A_39 = vector.multi_reduction <add>, %exp3A, %reduce_sum3A [1] : vector<1024x256xf32> to vector<1024xf32>
    %broadcast_in_dim3A_40 = vector.shape_cast %reduce_sum3A_39 : vector<1024xf32> to vector<1024x1xf32>
    %div3A = arith.constant 1.000000e+00 : f32
    %div3A_41 = vector.broadcast %div3A : f32 to vector<1024x1xf32>
    %div3A_42 = arith.divf %div3A_41, %broadcast_in_dim3A_40 : vector<1024x1xf32>
    %mul3A = vector.broadcast %div3A_42 : vector<1024x1xf32> to vector<1024x256xf32>
    %mul3A_43 = arith.mulf %exp3A, %mul3A : vector<1024x256xf32>
    %get3A_44 = arith.constant 0 : index
    %get3A_45 = arith.constant 0 : index
    %get3A_46 = vector.load %arg1[%get3A_44, %get3A_45] : memref<1024x384xf32, #tpu.memory_space<vmem>>, vector<1024x317xf32>
    %swap3A = arith.constant 0 : index
    %swap3A_47 = arith.constant 0 : index
    %swap3A_48 = vector.load %arg9[%swap3A, %swap3A_47] : memref<1024x573xf32, #tpu.memory_space<vmem>>, vector<1024x317xf32>
    tpu.vector_store %arg9[%swap3A, %swap3A_47], %get3A_46 {strides = array<i32>} : memref<1024x573xf32, #tpu.memory_space<vmem>>, vector<1024x317xf32>,
    %swap3A_49 = arith.constant 0 : index
    %swap3A_50 = arith.constant 317 : index
    %swap3A_51 = vector.load %arg9[%swap3A_49, %swap3A_50] : memref<1024x573xf32, #tpu.memory_space<vmem>>, vector<1024x256xf32>
    tpu.vector_store %arg9[%swap3A_49, %swap3A_50], %mul3A_43 {strides = array<i32>} : memref<1024x573xf32, #tpu.memory_space<vmem>>, vector<1024x256xf32>,
    return
  }
  func.func @transform_0(%arg0: i32) -> (i32, i32) {
    %c0_i32 = arith.constant 0 : i32
    %c0_i32_0 = arith.constant 0 : i32
    return %arg0, %c0_i32 : i32, i32
  }
  func.func @transform_1(%arg0: i32) -> (i32, i32) {
    %c0_i32 = arith.constant 0 : i32
    %c0_i32_0 = arith.constant 0 : i32
    return %arg0, %c0_i32 : i32, i32
  }
  func.func @transform_2(%arg0: i32) -> (i32, i32) {
    %c0_i32 = arith.constant 0 : i32
    %c0_i32_0 = arith.constant 0 : i32
    %c0_i32_1 = arith.constant 0 : i32
    return %c0_i32, %c0_i32_0 : i32, i32
  }
  func.func @transform_3(%arg0: i32) -> (i32, i32) {
    %c0_i32 = arith.constant 0 : i32
    %c0_i32_0 = arith.constant 0 : i32
    %c0_i32_1 = arith.constant 0 : i32
    return %c0_i32, %c0_i32_0 : i32, i32
  }
  func.func @transform_4(%arg0: i32) -> (i32, i32) {
    %c0_i32 = arith.constant 0 : i32
    %c0_i32_0 = arith.constant 0 : i32
    %c0_i32_1 = arith.constant 0 : i32
    return %c0_i32, %c0_i32_0 : i32, i32
  }
  func.func @transform_5(%arg0: i32) -> (i32, i32) {
    %c0_i32 = arith.constant 0 : i32
    %c0_i32_0 = arith.constant 0 : i32
    %c0_i32_1 = arith.constant 0 : i32
    return %c0_i32, %c0_i32_0 : i32, i32
  }
  func.func @transform_6(%arg0: i32) -> (i32, i32) {
    %c0_i32 = arith.constant 0 : i32
    %c0_i32_0 = arith.constant 0 : i32
    %c0_i32_1 = arith.constant 0 : i32
    return %c0_i32, %c0_i32_0 : i32, i32
  }
  func.func @transform_7(%arg0: i32) -> (i32, i32) {
    %c0_i32 = arith.constant 0 : i32
    %c0_i32_0 = arith.constant 0 : i32
    %c0_i32_1 = arith.constant 0 : i32
    return %c0_i32, %c0_i32_0 : i32, i32
  }
  func.func @transform_8(%arg0: i32) -> (i32, i32) {
    %c0_i32 = arith.constant 0 : i32
    %c0_i32_0 = arith.constant 0 : i32
    return %arg0, %c0_i32 : i32, i32
  }
}

</mosaic_0001>

<sc_bundles>
// kernel: kernel.5.cloned.1.call-start
scs
__scs_entry_jumppad:
0x0: {  	(pc) =	sbr.rel $0x88, $3  }
0x1: {  	(tag) =	ssettag $0x0;
	lr =	simm.s32 $0x1  }
0x2: {  	[smem:$0x3F92] =	sst lr;
	_ =	strace $0xD0000000  }
0x3: {  	_ = 	snop  }
0x4: {  	_ = 	snop  }
0x5: {  	_ = 	snop  }
0x6: {  	_ = 	snop  }
0x7: {  	_ = 	snop  }
__scs_overlays_trampoline_lowered:
0x8: {  	[smem:$0x3FA1] =	sst s0  }
0x9: {  	[smem:$0x3FA2] =	sst s1  }
0xa: {  	[smem:$0x3FA3] =	sst s2  }
0xb: {  	[smem:$0x3FA4] =	sst s3  }
0xc: {  	[smem:$0x3FA5] =	sst s4  }
0xd: {  	[smem:$0x3FA6] =	sst s5  }
0xe: {  	[smem:$0x3FA7] =	sst s6  }
0xf: {  	[smem:$0x3FA8] =	sst s7  }
0x10: {  	[smem:$0x3FA9] =	sst s8  }
0x11: {  	[smem:$0x3FAA] =	sst s9;
	s0 =	simm.s32 @!p0 $0x0  }
0x12: {  	s1 =	sld [smem:$0x3F90];
	s0 =	simm.s32 @p0 $0x1  }
0x13: {  	[smem:$0x3FAB] =	sst s0;
	s0 =	simm.s32 @!p1 $0x0  }
0x14: {  	s2 =	sld [smem:$0x3F8F];
	s0 =	simm.s32 @p1 $0x1  }
0x15: {  	[smem:$0x3FAC] =	sst s0;
	s0 =	simm.s32 @!p2 $0x0  }
0x16: {  	s3 =	sld [smem:$0x3FDB];
	s0 =	simm.s32 @p2 $0x1  }
0x17: {  	s4 =	simm.s32 $0x1BF5;
	[smem:$0x3FAE] =	sst s0  }
0x18: {  	s0 =	sld [smem:$0x3F91];
	_ =	swait.ge [sflag:s4], $0x0  }
0x19: {  	s7 =	sld [smem:$0x3F92]  }
0x1a: {  	s8 =	sadd.s32 $0xFFFFE003, lr  }
0x1b: {  	s9 =	sadd.s32 $0xFFFFFEF7, lr;
	s5 =	simm.s32 $0xFFFFFFFF;
	p2 =	slt.u32 s8, $0xFFFFF086  }
0x1c: {  	p1 =	slt.u32 s9, $0xF7A;
	s5 =	simm.s32 @!p2 $0x0  }
0x1d: {  	s5 =	simm.s32 @p1 $0x1;
	p0 =	seq.s32 s7, s2  }
0x1e: {  	s7 =	smul.u32 @!p0 $0xF7A, s2;
	p2 =	seq.s32 @!p0 s5, $0x0  }
0x1f: {  	s9 =	smul.u32 $0xF7A, s1;
	s8 =	simm.s32 @!p0 $0x1BF5;
	p2 =	por !p2, p0  }
0x20: {  	[sflag:s8] =	ssyncset.s32 @!p0 $0xFFFFF086;
	s6 =	sadd.s32 @!p0 s3, s7;
	s7 =	simm.s32 @!p0 $0x108  }
0x21: {  	s3 =	sadd.s32 s3, s9;
	s6 =	sadd.s32 @!p0 $0x88, s6;
	s7 =	simm.s32 @p2 $0x1082  }
0x22: {  	[simem:s7], [sflag:s8] =	dma.local @!p0 [hbm:s6], $0xF7A  }
0x23: {  	s9 =	sor.u32 $0xD0000000, s2;
	s6 =	simm.s32 $0x108;
	_ =	swait.ge @!p0 [sflag:s8], $0x0  }
0x24: {  	s3 =	sadd.s32 $0x88, s3;
	s6 =	simm.s32 @!p1 $0x1082;
	[sflag:s4] =	ssyncset.s32 $0xFFFFF086  }
0x25: {  	[simem:s6], [sflag:s4] =	dma.local [hbm:s3], $0xF7A  }
0x26: {  	[smem:$0x3F92] =	sst s1;
	(tag) =	ssettag s2;
	_ =	strace s9  }
0x27: {  	s1 =	sld [smem:$0x3FA2]  }
0x28: {  	s2 =	sld [smem:$0x3FA3]  }
0x29: {  	s4 =	sld [smem:$0x3FA5]  }
0x2a: {  	p0 =	seq.s32 s5, $0x0;
	s5 =	sld [smem:$0x3FA6]  }
0x2b: {  	s6 =	sld [smem:$0x3FA7]  }
0x2c: {  	s7 =	sld [smem:$0x3FA8]  }
0x2d: {  	s3 =	simm.s32 $0x108;
	s8 =	sld [smem:$0x3FA9]  }
0x2e: {  	s3 =	simm.s32 @!p0 $0x1082;
	s9 =	sld [smem:$0x3FAA]  }
0x2f: {  	lr =	sadd.s32 s0, s3;
	s0 =	sld [smem:$0x3FA1]  }
0x30: {  	s3 =	sld [smem:$0x3FA4]  }
0x31: {  	[smem:$0x3FAD] =	sst s10  }
0x32: {  	s10 =	sld [smem:$0x3FAB];
	_ =	sdelay $0x3  }
0x33: {  	p0 =	seq.s32 s10, $0x1;
	s10 =	sld [smem:$0x3FAD];
	_ =	sdelay $0x3  }
0x34: {  	[smem:$0x3FAD] =	sst s10  }
0x35: {  	s10 =	sld [smem:$0x3FAC];
	_ =	sdelay $0x3  }
0x36: {  	p1 =	seq.s32 s10, $0x1;
	s10 =	sld [smem:$0x3FAD];
	_ =	sdelay $0x3  }
0x37: {  	[smem:$0x3FAD] =	sst s10  }
0x38: {  	s10 =	sld [smem:$0x3FAE]  }
0x39: {  	_ = 	snop;
	(pc) =	sbr.ind lr, $3  }
0x3a: {  	_ = 	snop  }
0x3b: {  	_ = 	snop  }
0x3c: {  	p2 =	seq.s32 s10, $0x1;
	s10 =	sld [smem:$0x3FAD]  }
0x3d: {  	_ =	shalt  }
0x3e: {  	_ =	shalt  }
0x3f: {  	_ =	shalt  }
0x40: {  	_ =	shalt  }
0x41: {  	_ =	shalt  }
0x42: {  	_ =	shalt  }
0x43: {  	_ =	shalt  }
0x44: {  	_ =	shalt  }
0x45: {  	_ =	shalt  }
0x46: {  	_ =	shalt  }
0x47: {  	_ =	shalt  }
0x48: {  	_ =	shalt  }
0x49: {  	_ =	shalt  }
0x4a: {  	_ =	shalt  }
0x4b: {  	_ =	shalt  }
0x4c: {  	_ =	shalt  }
0x4d: {  	_ =	shalt  }
0x4e: {  	_ =	shalt  }
0x4f: {  	_ =	shalt  }
0x50: {  	_ =	shalt  }
0x51: {  	_ =	shalt  }
0x52: {  	_ =	shalt  }
0x53: {  	_ =	shalt  }
0x54: {  	_ =	shalt  }
0x55: {  	_ =	shalt  }
0x56: {  	_ =	shalt  }
0x57: {  	_ =	shalt  }
0x58: {  	_ =	shalt  }
0x59: {  	_ =	shalt  }
0x5a: {  	_ =	shalt  }
0x5b: {  	_ =	shalt  }
0x5c: {  	_ =	shalt  }
0x5d: {  	_ =	shalt  }
0x5e: {  	_ =	shalt  }
0x5f: {  	_ =	shalt  }
0x60: {  	_ =	shalt  }
0x61: {  	_ =	shalt  }
0x62: {  	_ =	shalt  }
0x63: {  	_ =	shalt  }
0x64: {  	_ =	shalt  }
0x65: {  	_ =	shalt  }
0x66: {  	_ =	shalt  }
0x67: {  	_ =	shalt  }
0x68: {  	_ =	shalt  }
0x69: {  	_ =	shalt  }
0x6a: {  	_ =	shalt  }
0x6b: {  	_ =	shalt  }
0x6c: {  	_ =	shalt  }
0x6d: {  	_ =	shalt  }
0x6e: {  	_ =	shalt  }
0x6f: {  	_ =	shalt  }
0x70: {  	_ =	shalt  }
0x71: {  	_ =	shalt  }
0x72: {  	_ =	shalt  }
0x73: {  	_ =	shalt  }
0x74: {  	_ =	shalt  }
0x75: {  	_ =	shalt  }
0x76: {  	_ =	shalt  }
0x77: {  	_ =	shalt  }
0x78: {  	_ =	shalt  }
0x79: {  	_ =	shalt  }
0x7a: {  	_ =	shalt  }
0x7b: {  	_ =	shalt  }
0x7c: {  	_ =	shalt  }
0x7d: {  	_ =	shalt  }
0x7e: {  	_ =	shalt  }
0x7f: {  	_ =	shalt  }
0x80: {  	_ =	shalt  }
0x81: {  	_ =	shalt  }
0x82: {  	_ =	shalt  }
0x83: {  	_ =	shalt  }
0x84: {  	_ =	shalt  }
0x85: {  	_ =	shalt  }
0x86: {  	_ =	shalt  }
0x87: {  	_ =	shalt  }
.Lfunc_end0:
.L_simem_size_0:
called_computation_lowered:
.L_overlay_start_0:
0x88: {  	s2 =	sld [smem:$0x3FD9]  }
0x89: {  	s3 =	sld [smem:$0x3FFE];
	_ =	sdelay $0x1  }
0x8a: {  	s1 =	srdreg.scid  }
0x8b: {  	s0 =	sand.u32 $0x1, s1  }
0x8c: {  	s17 =	sshll.u32 s0, $0xA;
	s2 =	sadd.s32 s3, s2  }
0x8d: {  	s2 =	sadd.s32 s2, s17  }
0x8e: {  	[smem:$0x3FB9] =	sst s2  }
0x8f: {  	_ = 	snop  }
0x90: {  	s2 =	sld [smem:$0x3FC8]  }
0x91: {  	s18 =	sld [smem:$0x3FD0];
	(tm) =	ssettm $0x1  }
0x92: {  	s4 =	sld [smem:$0x3FFB];
	_ =	sdelay $0x3  }
0x93: {  	_ =	strace s4  }
0x94: {  	s4 =	sld [smem:$0x3FFC];
	_ =	sdelay $0x3  }
0x95: {  	_ =	strace s4  }
0x96: {  	s4 =	sld [smem:$0x3FFD];
	_ =	sdelay $0x3  }
0x97: {  	_ =	strace s4  }
0x98: {  	_ =	strace $0x8FFFFFFF  }
0x99: {  	s19 =	sld [smem:$0x3FDB];
	_ =	sdelay $0x1  }
0x9a: {  	s5 =	simm.s32 $_scs_section_size  }
0x9b: {  	s6 =	simm.s32 $_size__tile_overlayer_lowered;
	s7 =	simm.s32 $_tile_overlayer_lowered  }
0x9c: {  	s22 =	simm.s32 $0x1BFF;
	s21 =	sshll.u32 s7, $0x1;
	s4 =	sadd.s32 s5, s19  }
0x9d: {  	s8 =	simm.s32 $0x0;
	s20 =	sshll.u32 s6, $0x1;
	s6 =	sadd.s32 s21, s4  }
0x9e: {  	[timem:s8], [sflag:s22] =	dma.local [hbm:s6], s20  }
0x9f: {  	_ =	swait.ge [sflag:s22], s20  }
0xa0: {  	s5 =	ssub.s32 $0x0, s20;
	[sflag:s22] =	ssyncset.done $0x0  }
0xa1: {  	[sflag:s22] =	ssyncadd.s32 s5;
	_ =	sdelay $0x1  }
0xa2: {  	s23 =	simm.s32 $0x1B8B  }
0xa3: {  	_ =	swait.ge [sflag:s23], $0x1  }
0xa4: {  	[sflag:s23] =	ssyncset.done $0x0  }
0xa5: {  	s25 =	simm.s32 $0x1B8E;
	s24 =	sld [smem:$0x3FFE];
	[sflag:s23] =	ssyncadd.s32 $0xFFFFFFFF  }
0xa6: {  	s26 =	simm.s32 $execute0_lowered;
	[smem:$0x3FD2] =	sst s25  }
0xa7: {  	s6 =	sshll.u32 s26, $0x1;
	_ =	strace $0x80000046;
	[dreg:$0x1] =	wrdreg $0xFFFFFFFF  }
0xa8: {  	s28 =	simm.s32 $_size_execute0_lowered;
	s4 =	sadd.s32 s4, s6;
	[dreg:$0x0] =	wrdreg $0x0  }
0xa9: {  	s6 =	sshll.u32 s28, $0x1;
	[dreg:$0x2] =	wrdreg s4  }
0xaa: {  	[dreg:$0x3] =	wrdreg s6  }
0xab: {  	[dreg:$0x4] =	wrdreg $0xC0  }
0xac: {  	_ =	task [dreg:s8], $0x5FFFF  }
0xad: {  	[dreg:$0x1] =	wrdreg $0xFFFFFFFF  }
0xae: {  	[dreg:$0x0] =	wrdreg $0x60  }
0xaf: {  	[dreg:$0x2] =	wrdreg s24  }
0xb0: {  	[dreg:$0x3] =	wrdreg s2  }
0xb1: {  	[dreg:$0x4] =	wrdreg s18  }
0xb2: {  	[dreg:$0x5] =	wrdreg $0x9  }
0xb3: {  	_ =	task.clear_ibuf [dreg:s8], $0x6FFFF;
	_ =	strace $0x90000046  }
0xb4: {  	s29 =	simm.s32 $0x9;
	_ =	strace $0x80000048  }
0xb5: {  	_ =	swait.ge [sflag:s29], $0x1  }
0xb6: {  	[sflag:s29] =	ssyncadd.s32 $0xFFFFFFFF  }
0xb7: {  	_ =	strace $0x90000048  }
0xb8: {  	_ =	sfence  }
0xb9: {  	s30 =	sld [smem:$0x0];
	_ =	sdelay $0x2  }
0xba: {  	s31 =	sshll.u32 s1, $0xD;
	s1 =	sshrl.u32 s1, $0x2  }
0xbb: {  	s3 =	sand.u32 $0x4000, s31;
	s1 =	sadd.s32 s1, s30  }
0xbc: {  	s0 =	sor.u32 s3, s0;
	s1 =	sshll.u32 s1, $0x11  }
0xbd: {  	s0 =	sor.u32 s1, s0  }
0xbe: {  	s0 =	sadd.s32 $0x8F2B, s0  }
0xbf: {  	[sflag:s0] =	ssyncadd.remote.s32 $0x1  }
0xc0: {  	_ =	sfence.sel $0xFFFF  }
0xc1: {  	[dreg:$0x0] =	wrdreg $0xFFFFFFFF;
	(pc) =	sbr.abs _section_cstart, $3  }
0xc2: {  	[dreg:$0x1] =	wrdreg $0xFFFFFFFF  }
0xc3: {  	_ =	task.clear_ibuf [dreg:s8], $0x2FFFF;
	_ =	strace $0x9FFFFFFF  }
0xc4: {  	(tm) =	ssettm $0x7FFFFFFF  }
0xc5: {  	_ =	shalt  }
tec
execute0_lowered:
.L_overlay_start_1:
0x0: {  	(tag) =	ssettag $0x1  }
0x1: {  	s0 =	rddreg [dreg:$0x0]  }
0x2: {  	s1 =	srdreg.scid;
	s5 =	rddreg [dreg:$0x1]  }
0x3: {  	s2 =	stileid.u32;
	s6 =	rddreg [dreg:$0x2];
	s13 =	simm.s32 $0x1  }
0x4: {  	s14 =	simm.s32 $0x2;
	s16 =	simm.s32 $0xE00;
	s17 =	simm.s32 $0x1A00  }
0x5: {  	s18 =	simm.s32 $0x2600;
	s19 =	simm.s32 $0x3200;
	s20 =	simm.s32 $0x3E00  }
0x6: {  	s21 =	simm.s32 $0x4A00;
	s28 =	simm.s32 $0x9E00;
	s29 =	simm.s32 $0xAA00  }
0x7: {  	s30 =	simm.s32 $0xB600;
	s31 =	simm.s32 $0x600;
	s10 =	simm.s32 $0x2A00  }
0x8: {  	s12 =	simm.s32 $0x3600;
	s11 =	simm.s32 $0x4E00;
	s1 =	sand.u32 $0x1, s1  }
0x9: {  	s3 =	sshll.u32 s2, $0x7;
	s2 =	simm.s32 $0x0;
	s4 =	sshll.u32 s1, $0x6  }
0xa: {  	[smem:$0x7FF] =	sst s2;
	s1 =	ssub.s32 $0x2, s1;
	s7 =	sor.u32 s4, s3  }
0xb: {  	_ =	strace $0x80000047;
	s3 =	sadd.s32 $0x1E00, s0;
	s8 =	smul.u32 $0x180, s7  }
0xc: {  	s4 =	sadd.s32 $0x495C00, s0;
	s24 =	sshrl.u32 s1, $0x1;
	s9 =	smul.u32 $0xC00, s7  }
0xd: {  	s5 =	sadd.s32 s5, s7;
	s1 =	ssub.s32 s1, s24;
	s24 =	simm.s32 $0x7A00  }
0xe: {  	[dreg:$0x4] =	wrdreg s5;
	s7 =	smax.u32 s1, $0x1;
	s5 =	simm.s32 $0x5600  }
0xf: {  	s1 =	simm.s32 $0xC200;
	s8 =	sadd.s32 s6, s8;
	s22 =	sshrl.u32 s9, $0x3  }
0x10: {  	s9 =	simm.s32 $0x4200;
	[dreg:$0x8] =	wrdreg s8;
	s23 =	sadd.s32 $0x1800, s8  }
0x11: {  	s6 =	sadd.s32 s6, s22;
	s8 =	simm.s32 $0x3;
	s22 =	simm.s32 $0x6200  }
0x12: {  	v2 =	vlaneseq.u32;
	[dreg:$0x5] =	wrdreg s23;
	s25 =	sadd.s32 $0x3000, s6;
	s26 =	sadd.s32 $0x4800, s6  }
0x13: {  	vm0 =	vmmov $0xff;
	v1 =	vshrl.u32 v2, $0x3;
	s6 =	sadd.s32 $0x1E80, s0;
	s23 =	simm.s32 $0x6E00;
	[dreg:$0x6] =	wrdreg s25  }
0x14: {  	v0 =	vand.u32 $0x7, v2;
	v2 =	vor.u32 $0x8, v2;
	v1 =	vmul.u32 $0x8, v1;
	[dreg:$0x7] =	wrdreg s26;
	s25 =	simm.s32 $0x8600;
	s26 =	simm.s32 $0x9200  }
.LBB2_1:
0x15: {  	s15 =	rddreg [dreg:$0x4]  }
0x16: {  	[tilespmem:s2], [sflag:$0x3] =	stream.linear.gather [hbm4b:s15+s2], $0x200, $0x38;
	[tilespmem:$0x18200] =	vst v63  }
0x17: {  	_ =	swait.ge [sflag:s8], $0x200  }
0x18: {  	[sflag:s8] =	ssyncset.done $0x0  }
0x19: {  	[sflag:s8] =	ssyncadd.s32 $0xFFFFFE00  }
0x1a: {  	v3 =	vld [tilespmem:$0x0];
	_ =	sdelay $0x4  }
0x1b: {  	v4 =	vshrl.u32 v3, $0x3  }
0x1c: {  	v4 =	vmul.u32 $0x18, v4  }
0x1d: {  	v3 =	vand.u32 $0x7, v3  }
0x1e: {  	v3 =	vor.u32 v3, v4  }
0x1f: {  	v4 =	vperm.xlane v3, v0;
	_ =	sdelay $0x1  }
0x20: {  	v3 =	vperm.xlane v3, v2;
	v4 =	vadd.s32 v1, v4;
	_ =	sdelay $0x1  }
0x21: {  	v3 =	vadd.s32 v1, v3;
	_ =	sdelay $0x1  }
0x22: {  	s0 =	simm.s32 $0x200  }
0x23: {  	[tilespmem:s0], [sflag:$0x1] =	stream.indirect_vreg.gather [hbm4b:s3+s2], $0x80, v4, vm0, $0xb8;
	[tilespmem:$0x18200] =	vst v63  }
0x24: {  	_ = 	snop  }
0x25: {  	[tilespmem:s16], [sflag:$0x1] =	stream.indirect_vreg.gather [hbm4b:s3+s2], $0x80, v3, vm0, $0xb8;
	[tilespmem:$0x18200] =	vst v63  }
0x26: {  	v3 =	vld [tilespmem:$0x10];
	_ =	sdelay $0x4  }
0x27: {  	v25 =	vshrl.u32 v3, $0x3  }
0x28: {  	v4 =	vmul.u32 $0x18, v25  }
0x29: {  	v3 =	vand.u32 $0x7, v3  }
0x2a: {  	v3 =	vor.u32 v3, v4  }
0x2b: {  	v4 =	vperm.xlane v3, v0;
	_ =	sdelay $0x1  }
0x2c: {  	v3 =	vperm.xlane v3, v2;
	v4 =	vadd.s32 v1, v4;
	_ =	sdelay $0x1  }
0x2d: {  	v3 =	vadd.s32 v1, v3;
	_ =	sdelay $0x2  }
0x2e: {  	[tilespmem:s17], [sflag:$0x1] =	stream.indirect_vreg.gather [hbm4b:s3+s2], $0x80, v4, vm0, $0xb8;
	[tilespmem:$0x18200] =	vst v63  }
0x2f: {  	_ = 	snop  }
0x30: {  	[tilespmem:s18], [sflag:$0x1] =	stream.indirect_vreg.gather [hbm4b:s3+s2], $0x80, v3, vm0, $0xb8;
	[tilespmem:$0x18200] =	vst v63  }
0x31: {  	v3 =	vld [tilespmem:$0x20];
	_ =	sdelay $0x4  }
0x32: {  	v26 =	vshrl.u32 v3, $0x3  }
0x33: {  	v4 =	vmul.u32 $0x18, v26  }
0x34: {  	v3 =	vand.u32 $0x7, v3  }
0x35: {  	v3 =	vor.u32 v3, v4  }
0x36: {  	v4 =	vperm.xlane v3, v0;
	_ =	sdelay $0x1  }
0x37: {  	v3 =	vperm.xlane v3, v2;
	v4 =	vadd.s32 v1, v4;
	_ =	sdelay $0x1  }
0x38: {  	v3 =	vadd.s32 v1, v3;
	_ =	sdelay $0x2  }
0x39: {  	[tilespmem:s19], [sflag:$0x1] =	stream.indirect_vreg.gather [hbm4b:s3+s2], $0x80, v4, vm0, $0xb8;
	[tilespmem:$0x18200] =	vst v63  }
0x3a: {  	_ = 	snop  }
0x3b: {  	[tilespmem:s20], [sflag:$0x1] =	stream.indirect_vreg.gather [hbm4b:s3+s2], $0x80, v3, vm0, $0xb8;
	[tilespmem:$0x18200] =	vst v63  }
0x3c: {  	v3 =	vld [tilespmem:$0x30];
	_ =	sdelay $0x4  }
0x3d: {  	v27 =	vshrl.u32 v3, $0x3  }
0x3e: {  	v4 =	vmul.u32 $0x18, v27  }
0x3f: {  	v3 =	vand.u32 $0x7, v3  }
0x40: {  	v3 =	vor.u32 v3, v4  }
0x41: {  	v4 =	vperm.xlane v3, v0;
	_ =	sdelay $0x1  }
0x42: {  	v3 =	vperm.xlane v3, v2;
	v4 =	vadd.s32 v1, v4;
	_ =	sdelay $0x1  }
0x43: {  	v3 =	vadd.s32 v1, v3;
	_ =	sdelay $0x2  }
0x44: {  	[tilespmem:s21], [sflag:$0x1] =	stream.indirect_vreg.gather [hbm4b:s3+s2], $0x80, v4, vm0, $0xb8;
	[tilespmem:$0x18200] =	vst v63  }
0x45: {  	_ = 	snop  }
0x46: {  	[tilespmem:s5], [sflag:$0x1] =	stream.indirect_vreg.gather [hbm4b:s3+s2], $0x80, v3, vm0, $0xb8;
	[tilespmem:$0x18200] =	vst v63  }
0x47: {  	v3 =	vld [tilespmem:$0x40];
	_ =	sdelay $0x4  }
0x48: {  	v28 =	vshrl.u32 v3, $0x3  }
0x49: {  	v4 =	vmul.u32 $0x18, v28  }
0x4a: {  	v3 =	vand.u32 $0x7, v3  }
0x4b: {  	v3 =	vor.u32 v3, v4  }
0x4c: {  	v4 =	vperm.xlane v3, v0;
	_ =	sdelay $0x1  }
0x4d: {  	v3 =	vperm.xlane v3, v2;
	v4 =	vadd.s32 v1, v4;
	_ =	sdelay $0x1  }
0x4e: {  	v3 =	vadd.s32 v1, v3;
	_ =	sdelay $0x2  }
0x4f: {  	[tilespmem:s22], [sflag:$0x1] =	stream.indirect_vreg.gather [hbm4b:s3+s2], $0x80, v4, vm0, $0xb8;
	[tilespmem:$0x18200] =	vst v63  }
0x50: {  	_ = 	snop  }
0x51: {  	[tilespmem:s23], [sflag:$0x1] =	stream.indirect_vreg.gather [hbm4b:s3+s2], $0x80, v3, vm0, $0xb8;
	[tilespmem:$0x18200] =	vst v63  }
0x52: {  	v3 =	vld [tilespmem:$0x50];
	_ =	sdelay $0x4  }
0x53: {  	v29 =	vshrl.u32 v3, $0x3  }
0x54: {  	v4 =	vmul.u32 $0x18, v29  }
0x55: {  	v3 =	vand.u32 $0x7, v3  }
0x56: {  	v3 =	vor.u32 v3, v4  }
0x57: {  	v4 =	vperm.xlane v3, v0;
	_ =	sdelay $0x1  }
0x58: {  	v3 =	vperm.xlane v3, v2;
	v4 =	vadd.s32 v1, v4;
	_ =	sdelay $0x1  }
0x59: {  	v3 =	vadd.s32 v1, v3;
	_ =	sdelay $0x2  }
0x5a: {  	[tilespmem:s24], [sflag:$0x1] =	stream.indirect_vreg.gather [hbm4b:s3+s2], $0x80, v4, vm0, $0xb8;
	[tilespmem:$0x18200] =	vst v63  }
0x5b: {  	_ = 	snop  }
0x5c: {  	[tilespmem:s25], [sflag:$0x1] =	stream.indirect_vreg.gather [hbm4b:s3+s2], $0x80, v3, vm0, $0xb8;
	[tilespmem:$0x18200] =	vst v63  }
0x5d: {  	v3 =	vld [tilespmem:$0x60];
	_ =	sdelay $0x4  }
0x5e: {  	v30 =	vshrl.u32 v3, $0x3  }
0x5f: {  	v4 =	vmul.u32 $0x18, v30  }
0x60: {  	v3 =	vand.u32 $0x7, v3  }
0x61: {  	v3 =	vor.u32 v3, v4  }
0x62: {  	v4 =	vperm.xlane v3, v0;
	_ =	sdelay $0x1  }
0x63: {  	v3 =	vperm.xlane v3, v2;
	v4 =	vadd.s32 v1, v4;
	_ =	sdelay $0x1  }
0x64: {  	v3 =	vadd.s32 v1, v3;
	_ =	sdelay $0x2  }
0x65: {  	[tilespmem:s26], [sflag:$0x1] =	stream.indirect_vreg.gather [hbm4b:s3+s2], $0x80, v4, vm0, $0xb8;
	[tilespmem:$0x18200] =	vst v63  }
0x66: {  	_ = 	snop  }
0x67: {  	[tilespmem:s28], [sflag:$0x1] =	stream.indirect_vreg.gather [hbm4b:s3+s2], $0x80, v3, vm0, $0xb8;
	[tilespmem:$0x18200] =	vst v63  }
0x68: {  	v3 =	vld [tilespmem:$0x70];
	_ =	sdelay $0x4  }
0x69: {  	v31 =	vshrl.u32 v3, $0x3  }
0x6a: {  	v4 =	vmul.u32 $0x18, v31  }
0x6b: {  	v3 =	vand.u32 $0x7, v3  }
0x6c: {  	v3 =	vor.u32 v3, v4  }
0x6d: {  	v4 =	vperm.xlane v3, v0;
	_ =	sdelay $0x1  }
0x6e: {  	v3 =	vperm.xlane v3, v2;
	v4 =	vadd.s32 v1, v4;
	_ =	sdelay $0x1  }
0x6f: {  	v3 =	vadd.s32 v1, v3;
	_ =	sdelay $0x2  }
0x70: {  	[tilespmem:s29], [sflag:$0x1] =	stream.indirect_vreg.gather [hbm4b:s3+s2], $0x80, v4, vm0, $0xb8;
	[tilespmem:$0x18200] =	vst v63  }
0x71: {  	_ = 	snop  }
0x72: {  	[tilespmem:s30], [sflag:$0x1] =	stream.indirect_vreg.gather [hbm4b:s3+s2], $0x80, v3, vm0, $0xb8;
	[tilespmem:$0x18200] =	vst v63  }
0x73: {  	v3 =	vld [tilespmem:$0x0];
	_ =	sdelay $0x4  }
0x74: {  	v32 =	vshrl.u32 v3, $0x3  }
0x75: {  	v4 =	vmul.u32 $0x18, v32  }
0x76: {  	v3 =	vand.u32 $0x7, v3  }
0x77: {  	v3 =	vor.u32 v3, v4  }
0x78: {  	v4 =	vperm.xlane v3, v0;
	_ =	sdelay $0x1  }
0x79: {  	v3 =	vperm.xlane v3, v2;
	v4 =	vadd.s32 v1, v4;
	_ =	sdelay $0x1  }
0x7a: {  	v3 =	vadd.s32 v1, v3;
	_ =	sdelay $0x2  }
0x7b: {  	[tilespmem:s31], [sflag:$0x1] =	stream.indirect_vreg.gather [hbm4b:s6+s2], $0x80, v4, vm0, $0xb8;
	[tilespmem:$0x18200] =	vst v63  }
0x7c: {  	s15 =	simm.s32 $0x1200  }
0x7d: {  	[tilespmem:s15], [sflag:$0x1] =	stream.indirect_vreg.gather [hbm4b:s6+s2], $0x80, v3, vm0, $0xb8;
	[tilespmem:$0x18200] =	vst v63  }
0x7e: {  	v3 =	vld [tilespmem:$0x10];
	_ =	sdelay $0x4  }
0x7f: {  	v33 =	vshrl.u32 v3, $0x3  }
0x80: {  	v4 =	vmul.u32 $0x18, v33  }
0x81: {  	v3 =	vand.u32 $0x7, v3  }
0x82: {  	v3 =	vor.u32 v3, v4  }
0x83: {  	v4 =	vperm.xlane v3, v0;
	_ =	sdelay $0x1  }
0x84: {  	v3 =	vperm.xlane v3, v2;
	v4 =	vadd.s32 v1, v4;
	_ =	sdelay $0x1  }
0x85: {  	v3 =	vadd.s32 v1, v3;
	_ =	sdelay $0x1  }
0x86: {  	s15 =	simm.s32 $0x1E00  }
0x87: {  	[tilespmem:s15], [sflag:$0x1] =	stream.indirect_vreg.gather [hbm4b:s6+s2], $0x80, v4, vm0, $0xb8;
	[tilespmem:$0x18200] =	vst v63  }
0x88: {  	_ = 	snop  }
0x89: {  	[tilespmem:s10], [sflag:$0x1] =	stream.indirect_vreg.gather [hbm4b:s6+s2], $0x80, v3, vm0, $0xb8;
	[tilespmem:$0x18200] =	vst v63  }
0x8a: {  	v3 =	vld [tilespmem:$0x20];
	_ =	sdelay $0x4  }
0x8b: {  	v34 =	vshrl.u32 v3, $0x3  }
0x8c: {  	v4 =	vmul.u32 $0x18, v34  }
0x8d: {  	v3 =	vand.u32 $0x7, v3  }
0x8e: {  	v3 =	vor.u32 v3, v4  }
0x8f: {  	v4 =	vperm.xlane v3, v0;
	_ =	sdelay $0x1  }
0x90: {  	v3 =	vperm.xlane v3, v2;
	v4 =	vadd.s32 v1, v4;
	_ =	sdelay $0x1  }
0x91: {  	v3 =	vadd.s32 v1, v3;
	_ =	sdelay $0x2  }
0x92: {  	[tilespmem:s12], [sflag:$0x1] =	stream.indirect_vreg.gather [hbm4b:s6+s2], $0x80, v4, vm0, $0xb8;
	[tilespmem:$0x18200] =	vst v63  }
0x93: {  	_ = 	snop  }
0x94: {  	[tilespmem:s9], [sflag:$0x1] =	stream.indirect_vreg.gather [hbm4b:s6+s2], $0x80, v3, vm0, $0xb8;
	[tilespmem:$0x18200] =	vst v63  }
0x95: {  	v3 =	vld [tilespmem:$0x30];
	_ =	sdelay $0x4  }
0x96: {  	v35 =	vshrl.u32 v3, $0x3  }
0x97: {  	v4 =	vmul.u32 $0x18, v35  }
0x98: {  	v3 =	vand.u32 $0x7, v3  }
0x99: {  	v3 =	vor.u32 v3, v4  }
0x9a: {  	v4 =	vperm.xlane v3, v0;
	_ =	sdelay $0x1  }
0x9b: {  	v3 =	vperm.xlane v3, v2;
	v4 =	vadd.s32 v1, v4;
	_ =	sdelay $0x1  }
0x9c: {  	v3 =	vadd.s32 v1, v3;
	_ =	sdelay $0x2  }
0x9d: {  	[tilespmem:s11], [sflag:$0x1] =	stream.indirect_vreg.gather [hbm4b:s6+s2], $0x80, v4, vm0, $0xb8;
	[tilespmem:$0x18200] =	vst v63  }
0x9e: {  	s15 =	simm.s32 $0x5A00  }
0x9f: {  	[tilespmem:s15], [sflag:$0x1] =	stream.indirect_vreg.gather [hbm4b:s6+s2], $0x80, v3, vm0, $0xb8;
	[tilespmem:$0x18200] =	vst v63  }
0xa0: {  	v3 =	vld [tilespmem:$0x40];
	_ =	sdelay $0x4  }
0xa1: {  	v36 =	vshrl.u32 v3, $0x3  }
0xa2: {  	v4 =	vmul.u32 $0x18, v36  }
0xa3: {  	v3 =	vand.u32 $0x7, v3  }
0xa4: {  	v3 =	vor.u32 v3, v4  }
0xa5: {  	v4 =	vperm.xlane v3, v0;
	_ =	sdelay $0x1  }
0xa6: {  	v3 =	vperm.xlane v3, v2;
	v4 =	vadd.s32 v1, v4;
	_ =	sdelay $0x1  }
0xa7: {  	v3 =	vadd.s32 v1, v3;
	_ =	sdelay $0x1  }
0xa8: {  	s15 =	simm.s32 $0x6600  }
0xa9: {  	[tilespmem:s15], [sflag:$0x1] =	stream.indirect_vreg.gather [hbm4b:s6+s2], $0x80, v4, vm0, $0xb8;
	[tilespmem:$0x18200] =	vst v63  }
0xaa: {  	s15 =	simm.s32 $0x7200  }
0xab: {  	[tilespmem:s15], [sflag:$0x1] =	stream.indirect_vreg.gather [hbm4b:s6+s2], $0x80, v3, vm0, $0xb8;
	[tilespmem:$0x18200] =	vst v63  }
0xac: {  	v3 =	vld [tilespmem:$0x50];
	_ =	sdelay $0x4  }
0xad: {  	v37 =	vshrl.u32 v3, $0x3  }
0xae: {  	v4 =	vmul.u32 $0x18, v37  }
0xaf: {  	v3 =	vand.u32 $0x7, v3  }
0xb0: {  	v3 =	vor.u32 v3, v4  }
0xb1: {  	v4 =	vperm.xlane v3, v0;
	_ =	sdelay $0x1  }
0xb2: {  	v3 =	vperm.xlane v3, v2;
	v4 =	vadd.s32 v1, v4;
	_ =	sdelay $0x1  }
0xb3: {  	v3 =	vadd.s32 v1, v3;
	_ =	sdelay $0x1  }
0xb4: {  	s15 =	simm.s32 $0x7E00  }
0xb5: {  	[tilespmem:s15], [sflag:$0x1] =	stream.indirect_vreg.gather [hbm4b:s6+s2], $0x80, v4, vm0, $0xb8;
	[tilespmem:$0x18200] =	vst v63  }
0xb6: {  	s15 =	simm.s32 $0x8A00  }
0xb7: {  	[tilespmem:s15], [sflag:$0x1] =	stream.indirect_vreg.gather [hbm4b:s6+s2], $0x80, v3, vm0, $0xb8;
	[tilespmem:$0x18200] =	vst v63  }
0xb8: {  	v3 =	vld [tilespmem:$0x60];
	_ =	sdelay $0x4  }
0xb9: {  	v38 =	vshrl.u32 v3, $0x3  }
0xba: {  	v4 =	vmul.u32 $0x18, v38  }
0xbb: {  	v3 =	vand.u32 $0x7, v3  }
0xbc: {  	v3 =	vor.u32 v3, v4  }
0xbd: {  	v4 =	vperm.xlane v3, v0;
	_ =	sdelay $0x1  }
0xbe: {  	v3 =	vperm.xlane v3, v2;
	v4 =	vadd.s32 v1, v4;
	_ =	sdelay $0x1  }
0xbf: {  	v3 =	vadd.s32 v1, v3;
	_ =	sdelay $0x1  }
0xc0: {  	s15 =	simm.s32 $0x9600  }
0xc1: {  	[tilespmem:s15], [sflag:$0x1] =	stream.indirect_vreg.gather [hbm4b:s6+s2], $0x80, v4, vm0, $0xb8;
	[tilespmem:$0x18200] =	vst v63  }
0xc2: {  	s15 =	simm.s32 $0xA200  }
0xc3: {  	[tilespmem:s15], [sflag:$0x1] =	stream.indirect_vreg.gather [hbm4b:s6+s2], $0x80, v3, vm0, $0xb8;
	[tilespmem:$0x18200] =	vst v63  }
0xc4: {  	v3 =	vld [tilespmem:$0x70];
	_ =	sdelay $0x4  }
0xc5: {  	v39 =	vshrl.u32 v3, $0x3  }
0xc6: {  	v4 =	vmul.u32 $0x18, v39  }
0xc7: {  	v3 =	vand.u32 $0x7, v3  }
0xc8: {  	v3 =	vor.u32 v3, v4  }
0xc9: {  	v4 =	vperm.xlane v3, v0;
	_ =	sdelay $0x1  }
0xca: {  	v3 =	vperm.xlane v3, v2;
	v4 =	vadd.s32 v1, v4;
	_ =	sdelay $0x1  }
0xcb: {  	v3 =	vadd.s32 v1, v3;
	_ =	sdelay $0x1  }
0xcc: {  	s15 =	simm.s32 $0xAE00  }
0xcd: {  	[tilespmem:s15], [sflag:$0x1] =	stream.indirect_vreg.gather [hbm4b:s6+s2], $0x80, v4, vm0, $0xb8;
	[tilespmem:$0x18200] =	vst v63  }
0xce: {  	s15 =	simm.s32 $0xBA00  }
0xcf: {  	[tilespmem:s15], [sflag:$0x1] =	stream.indirect_vreg.gather [hbm4b:s6+s2], $0x80, v3, vm0, $0xb8;
	[tilespmem:$0x18200] =	vst v63  }
0xd0: {  	v3 =	vld [tilespmem:$0x0];
	_ =	sdelay $0x4  }
0xd1: {  	v40 =	vperm.xlane v3, v0;
	_ =	sdelay $0x1  }
0xd2: {  	v3 =	vperm.xlane v3, v2;
	v4 =	vadd.s32 v1, v40;
	_ =	sdelay $0x1  }
0xd3: {  	v3 =	vadd.s32 v1, v3;
	_ =	sdelay $0x1  }
0xd4: {  	s15 =	simm.s32 $0xA00  }
0xd5: {  	[tilespmem:s15], [sflag:$0x1] =	stream.indirect_vreg.gather [hbm4b:s4+s2], $0x80, v4, vm0, $0xb8;
	[tilespmem:$0x18200] =	vst v63  }
0xd6: {  	s15 =	simm.s32 $0x1600  }
0xd7: {  	[tilespmem:s15], [sflag:$0x1] =	stream.indirect_vreg.gather [hbm4b:s4+s2], $0x80, v3, vm0, $0xb8;
	[tilespmem:$0x18200] =	vst v63  }
0xd8: {  	v3 =	vld [tilespmem:$0x10];
	_ =	sdelay $0x4  }
0xd9: {  	v41 =	vperm.xlane v3, v0;
	_ =	sdelay $0x1  }
0xda: {  	v3 =	vperm.xlane v3, v2;
	v4 =	vadd.s32 v1, v41;
	_ =	sdelay $0x1  }
0xdb: {  	v3 =	vadd.s32 v1, v3;
	_ =	sdelay $0x1  }
0xdc: {  	s15 =	simm.s32 $0x2200  }
0xdd: {  	[tilespmem:s15], [sflag:$0x1] =	stream.indirect_vreg.gather [hbm4b:s4+s2], $0x80, v4, vm0, $0xb8;
	[tilespmem:$0x18200] =	vst v63  }
0xde: {  	s15 =	simm.s32 $0x2E00  }
0xdf: {  	[tilespmem:s15], [sflag:$0x1] =	stream.indirect_vreg.gather [hbm4b:s4+s2], $0x80, v3, vm0, $0xb8;
	[tilespmem:$0x18200] =	vst v63  }
0xe0: {  	v3 =	vld [tilespmem:$0x20];
	_ =	sdelay $0x4  }
0xe1: {  	v42 =	vperm.xlane v3, v0;
	_ =	sdelay $0x1  }
0xe2: {  	v3 =	vperm.xlane v3, v2;
	v4 =	vadd.s32 v1, v42;
	_ =	sdelay $0x1  }
0xe3: {  	v3 =	vadd.s32 v1, v3;
	_ =	sdelay $0x1  }
0xe4: {  	s15 =	simm.s32 $0x3A00  }
0xe5: {  	[tilespmem:s15], [sflag:$0x1] =	stream.indirect_vreg.gather [hbm4b:s4+s2], $0x80, v4, vm0, $0xb8;
	[tilespmem:$0x18200] =	vst v63  }
0xe6: {  	s15 =	simm.s32 $0x4600  }
0xe7: {  	[tilespmem:s15], [sflag:$0x1] =	stream.indirect_vreg.gather [hbm4b:s4+s2], $0x80, v3, vm0, $0xb8;
	[tilespmem:$0x18200] =	vst v63  }
0xe8: {  	v3 =	vld [tilespmem:$0x30];
	_ =	sdelay $0x4  }
0xe9: {  	v43 =	vperm.xlane v3, v0;
	_ =	sdelay $0x1  }
0xea: {  	v3 =	vperm.xlane v3, v2;
	v4 =	vadd.s32 v1, v43;
	_ =	sdelay $0x1  }
0xeb: {  	v3 =	vadd.s32 v1, v3;
	_ =	sdelay $0x1  }
0xec: {  	s15 =	simm.s32 $0x5200  }
0xed: {  	[tilespmem:s15], [sflag:$0x1] =	stream.indirect_vreg.gather [hbm4b:s4+s2], $0x80, v4, vm0, $0xb8;
	[tilespmem:$0x18200] =	vst v63  }
0xee: {  	s15 =	simm.s32 $0x5E00  }
0xef: {  	[tilespmem:s15], [sflag:$0x1] =	stream.indirect_vreg.gather [hbm4b:s4+s2], $0x80, v3, vm0, $0xb8;
	[tilespmem:$0x18200] =	vst v63  }
0xf0: {  	v3 =	vld [tilespmem:$0x40];
	_ =	sdelay $0x4  }
0xf1: {  	v44 =	vperm.xlane v3, v0;
	_ =	sdelay $0x1  }
0xf2: {  	v3 =	vperm.xlane v3, v2;
	v4 =	vadd.s32 v1, v44;
	_ =	sdelay $0x1  }
0xf3: {  	v3 =	vadd.s32 v1, v3;
	_ =	sdelay $0x1  }
0xf4: {  	s15 =	simm.s32 $0x6A00  }
0xf5: {  	[tilespmem:s15], [sflag:$0x1] =	stream.indirect_vreg.gather [hbm4b:s4+s2], $0x80, v4, vm0, $0xb8;
	[tilespmem:$0x18200] =	vst v63  }
0xf6: {  	s15 =	simm.s32 $0x7600  }
0xf7: {  	[tilespmem:s15], [sflag:$0x1] =	stream.indirect_vreg.gather [hbm4b:s4+s2], $0x80, v3, vm0, $0xb8;
	[tilespmem:$0x18200] =	vst v63  }
0xf8: {  	v3 =	vld [tilespmem:$0x50];
	_ =	sdelay $0x4  }
0xf9: {  	v45 =	vperm.xlane v3, v0;
	_ =	sdelay $0x1  }
0xfa: {  	v3 =	vperm.xlane v3, v2;
	v4 =	vadd.s32 v1, v45;
	_ =	sdelay $0x1  }
0xfb: {  	v3 =	vadd.s32 v1, v3;
	_ =	sdelay $0x1  }
0xfc: {  	s15 =	simm.s32 $0x8200  }
0xfd: {  	[tilespmem:s15], [sflag:$0x1] =	stream.indirect_vreg.gather [hbm4b:s4+s2], $0x80, v4, vm0, $0xb8;
	[tilespmem:$0x18200] =	vst v63  }
0xfe: {  	s15 =	simm.s32 $0x8E00  }
0xff: {  	[tilespmem:s15], [sflag:$0x1] =	stream.indirect_vreg.gather [hbm4b:s4+s2], $0x80, v3, vm0, $0xb8;
	[tilespmem:$0x18200] =	vst v63  }
0x100: {  	v3 =	vld [tilespmem:$0x60];
	_ =	sdelay $0x4  }
0x101: {  	v46 =	vperm.xlane v3, v0;
	_ =	sdelay $0x1  }
0x102: {  	v3 =	vperm.xlane v3, v2;
	v4 =	vadd.s32 v1, v46;
	_ =	sdelay $0x1  }
0x103: {  	v3 =	vadd.s32 v1, v3;
	_ =	sdelay $0x1  }
0x104: {  	s15 =	simm.s32 $0x9A00  }
0x105: {  	[tilespmem:s15], [sflag:$0x1] =	stream.indirect_vreg.gather [hbm4b:s4+s2], $0x80, v4, vm0, $0xb8;
	[tilespmem:$0x18200] =	vst v63  }
0x106: {  	s15 =	simm.s32 $0xA600  }
0x107: {  	[tilespmem:s15], [sflag:$0x1] =	stream.indirect_vreg.gather [hbm4b:s4+s2], $0x80, v3, vm0, $0xb8;
	[tilespmem:$0x18200] =	vst v63  }
0x108: {  	v3 =	vld [tilespmem:$0x70];
	_ =	sdelay $0x4  }
0x109: {  	v47 =	vperm.xlane v3, v0;
	_ =	sdelay $0x1  }
0x10a: {  	v3 =	vperm.xlane v3, v2;
	v4 =	vadd.s32 v1, v47;
	_ =	sdelay $0x1  }
0x10b: {  	v3 =	vadd.s32 v1, v3;
	_ =	sdelay $0x1  }
0x10c: {  	s15 =	simm.s32 $0xB200  }
0x10d: {  	[tilespmem:s15], [sflag:$0x1] =	stream.indirect_vreg.gather [hbm4b:s4+s2], $0x80, v4, vm0, $0xb8;
	[tilespmem:$0x18200] =	vst v63  }
0x10e: {  	s15 =	simm.s32 $0xBE00  }
0x10f: {  	[tilespmem:s15], [sflag:$0x1] =	stream.indirect_vreg.gather [hbm4b:s4+s2], $0x80, v3, vm0, $0xb8;
	[tilespmem:$0x18200] =	vst v63  }
0x110: {  	v3 =	vld [tilespmem:$0x80];
	_ =	sdelay $0x4  }
0x111: {  	v48 =	vshrl.u32 v3, $0x3  }
0x112: {  	v4 =	vmul.u32 $0x18, v48  }
0x113: {  	v3 =	vand.u32 $0x7, v3  }
0x114: {  	v3 =	vor.u32 v3, v4  }
0x115: {  	v4 =	vperm.xlane v3, v0;
	_ =	sdelay $0x1  }
0x116: {  	v3 =	vperm.xlane v3, v2;
	v4 =	vadd.s32 v1, v4;
	_ =	sdelay $0x1  }
0x117: {  	v3 =	vadd.s32 v1, v3;
	_ =	sdelay $0x2  }
0x118: {  	[tilespmem:s1], [sflag:$0x2] =	stream.indirect_vreg.gather [hbm4b:s3+s2], $0x80, v4, vm0, $0xb8;
	[tilespmem:$0x18200] =	vst v63  }
0x119: {  	s15 =	simm.s32 $0xCE00  }
0x11a: {  	[tilespmem:s15], [sflag:$0x2] =	stream.indirect_vreg.gather [hbm4b:s3+s2], $0x80, v3, vm0, $0xb8;
	[tilespmem:$0x18200] =	vst v63  }
0x11b: {  	v3 =	vld [tilespmem:$0x90];
	_ =	sdelay $0x4  }
0x11c: {  	v49 =	vshrl.u32 v3, $0x3  }
0x11d: {  	v4 =	vmul.u32 $0x18, v49  }
0x11e: {  	v3 =	vand.u32 $0x7, v3  }
0x11f: {  	v3 =	vor.u32 v3, v4  }
0x120: {  	v4 =	vperm.xlane v3, v0;
	_ =	sdelay $0x1  }
0x121: {  	v3 =	vperm.xlane v3, v2;
	v4 =	vadd.s32 v1, v4;
	_ =	sdelay $0x1  }
0x122: {  	v3 =	vadd.s32 v1, v3;
	_ =	sdelay $0x1  }
0x123: {  	s15 =	simm.s32 $0xDA00  }
0x124: {  	[tilespmem:s15], [sflag:$0x2] =	stream.indirect_vreg.gather [hbm4b:s3+s2], $0x80, v4, vm0, $0xb8;
	[tilespmem:$0x18200] =	vst v63  }
0x125: {  	s15 =	simm.s32 $0xE600  }
0x126: {  	[tilespmem:s15], [sflag:$0x2] =	stream.indirect_vreg.gather [hbm4b:s3+s2], $0x80, v3, vm0, $0xb8;
	[tilespmem:$0x18200] =	vst v63  }
0x127: {  	v3 =	vld [tilespmem:$0xA0];
	_ =	sdelay $0x4  }
0x128: {  	v50 =	vshrl.u32 v3, $0x3  }
0x129: {  	v4 =	vmul.u32 $0x18, v50  }
0x12a: {  	v3 =	vand.u32 $0x7, v3  }
0x12b: {  	v3 =	vor.u32 v3, v4  }
0x12c: {  	v4 =	vperm.xlane v3, v0;
	_ =	sdelay $0x1  }
0x12d: {  	v3 =	vperm.xlane v3, v2;
	v4 =	vadd.s32 v1, v4;
	_ =	sdelay $0x1  }
0x12e: {  	v3 =	vadd.s32 v1, v3;
	_ =	sdelay $0x1  }
0x12f: {  	s15 =	simm.s32 $0xF200  }
0x130: {  	[tilespmem:s15], [sflag:$0x2] =	stream.indirect_vreg.gather [hbm4b:s3+s2], $0x80, v4, vm0, $0xb8;
	[tilespmem:$0x18200] =	vst v63  }
0x131: {  	s15 =	simm.s32 $0xFE00  }
0x132: {  	[tilespmem:s15], [sflag:$0x2] =	stream.indirect_vreg.gather [hbm4b:s3+s2], $0x80, v3, vm0, $0xb8;
	[tilespmem:$0x18200] =	vst v63  }
0x133: {  	v3 =	vld [tilespmem:$0xB0];
	_ =	sdelay $0x4  }
0x134: {  	v51 =	vshrl.u32 v3, $0x3  }
0x135: {  	v4 =	vmul.u32 $0x18, v51  }
0x136: {  	v3 =	vand.u32 $0x7, v3  }
0x137: {  	v3 =	vor.u32 v3, v4  }
0x138: {  	v4 =	vperm.xlane v3, v0;
	_ =	sdelay $0x1  }
0x139: {  	v3 =	vperm.xlane v3, v2;
	v4 =	vadd.s32 v1, v4;
	_ =	sdelay $0x1  }
0x13a: {  	v3 =	vadd.s32 v1, v3;
	_ =	sdelay $0x1  }
0x13b: {  	s15 =	simm.s32 $0x10A00  }
0x13c: {  	[tilespmem:s15], [sflag:$0x2] =	stream.indirect_vreg.gather [hbm4b:s3+s2], $0x80, v4, vm0, $0xb8;
	[tilespmem:$0x18200] =	vst v63  }
0x13d: {  	s15 =	simm.s32 $0x11600  }
0x13e: {  	[tilespmem:s15], [sflag:$0x2] =	stream.indirect_vreg.gather [hbm4b:s3+s2], $0x80, v3, vm0, $0xb8;
	[tilespmem:$0x18200] =	vst v63  }
0x13f: {  	v3 =	vld [tilespmem:$0xC0];
	_ =	sdelay $0x4  }
0x140: {  	v52 =	vshrl.u32 v3, $0x3  }
0x141: {  	v4 =	vmul.u32 $0x18, v52  }
0x142: {  	v3 =	vand.u32 $0x7, v3  }
0x143: {  	v3 =	vor.u32 v3, v4  }
0x144: {  	v4 =	vperm.xlane v3, v0;
	_ =	sdelay $0x1  }
0x145: {  	v3 =	vperm.xlane v3, v2;
	v4 =	vadd.s32 v1, v4;
	_ =	sdelay $0x1  }
0x146: {  	v3 =	vadd.s32 v1, v3;
	_ =	sdelay $0x1  }
0x147: {  	s15 =	simm.s32 $0x12200  }
0x148: {  	[tilespmem:s15], [sflag:$0x2] =	stream.indirect_vreg.gather [hbm4b:s3+s2], $0x80, v4, vm0, $0xb8;
	[tilespmem:$0x18200] =	vst v63  }
0x149: {  	s15 =	simm.s32 $0x12E00  }
0x14a: {  	[tilespmem:s15], [sflag:$0x2] =	stream.indirect_vreg.gather [hbm4b:s3+s2], $0x80, v3, vm0, $0xb8;
	[tilespmem:$0x18200] =	vst v63  }
0x14b: {  	v3 =	vld [tilespmem:$0xD0];
	_ =	sdelay $0x4  }
0x14c: {  	v53 =	vshrl.u32 v3, $0x3  }
0x14d: {  	v4 =	vmul.u32 $0x18, v53  }
0x14e: {  	v3 =	vand.u32 $0x7, v3  }
0x14f: {  	v3 =	vor.u32 v3, v4  }
0x150: {  	v4 =	vperm.xlane v3, v0;
	_ =	sdelay $0x1  }
0x151: {  	v3 =	vperm.xlane v3, v2;
	v4 =	vadd.s32 v1, v4;
	_ =	sdelay $0x1  }
0x152: {  	v3 =	vadd.s32 v1, v3;
	_ =	sdelay $0x1  }
0x153: {  	s15 =	simm.s32 $0x13A00  }
0x154: {  	[tilespmem:s15], [sflag:$0x2] =	stream.indirect_vreg.gather [hbm4b:s3+s2], $0x80, v4, vm0, $0xb8;
	[tilespmem:$0x18200] =	vst v63  }
0x155: {  	s15 =	simm.s32 $0x14600  }
0x156: {  	[tilespmem:s15], [sflag:$0x2] =	stream.indirect_vreg.gather [hbm4b:s3+s2], $0x80, v3, vm0, $0xb8;
	[tilespmem:$0x18200] =	vst v63  }
0x157: {  	v3 =	vld [tilespmem:$0xE0];
	_ =	sdelay $0x4  }
0x158: {  	v54 =	vshrl.u32 v3, $0x3  }
0x159: {  	v4 =	vmul.u32 $0x18, v54  }
0x15a: {  	v3 =	vand.u32 $0x7, v3  }
0x15b: {  	v3 =	vor.u32 v3, v4  }
0x15c: {  	v4 =	vperm.xlane v3, v0;
	_ =	sdelay $0x1  }
0x15d: {  	v3 =	vperm.xlane v3, v2;
	v4 =	vadd.s32 v1, v4;
	_ =	sdelay $0x1  }
0x15e: {  	v3 =	vadd.s32 v1, v3;
	_ =	sdelay $0x1  }
0x15f: {  	s15 =	simm.s32 $0x15200  }
0x160: {  	[tilespmem:s15], [sflag:$0x2] =	stream.indirect_vreg.gather [hbm4b:s3+s2], $0x80, v4, vm0, $0xb8;
	[tilespmem:$0x18200] =	vst v63  }
0x161: {  	s15 =	simm.s32 $0x15E00  }
0x162: {  	[tilespmem:s15], [sflag:$0x2] =	stream.indirect_vreg.gather [hbm4b:s3+s2], $0x80, v3, vm0, $0xb8;
	[tilespmem:$0x18200] =	vst v63  }
0x163: {  	v3 =	vld [tilespmem:$0xF0];
	_ =	sdelay $0x4  }
0x164: {  	v55 =	vshrl.u32 v3, $0x3  }
0x165: {  	v4 =	vmul.u32 $0x18, v55  }
0x166: {  	v3 =	vand.u32 $0x7, v3  }
0x167: {  	v3 =	vor.u32 v3, v4  }
0x168: {  	v4 =	vperm.xlane v3, v0;
	_ =	sdelay $0x1  }
0x169: {  	v3 =	vperm.xlane v3, v2;
	v4 =	vadd.s32 v1, v4;
	_ =	sdelay $0x1  }
0x16a: {  	v3 =	vadd.s32 v1, v3;
	_ =	sdelay $0x1  }
0x16b: {  	s15 =	simm.s32 $0x16A00  }
0x16c: {  	[tilespmem:s15], [sflag:$0x2] =	stream.indirect_vreg.gather [hbm4b:s3+s2], $0x80, v4, vm0, $0xb8;
	[tilespmem:$0x18200] =	vst v63  }
0x16d: {  	s15 =	simm.s32 $0x17600  }
0x16e: {  	[tilespmem:s15], [sflag:$0x2] =	stream.indirect_vreg.gather [hbm4b:s3+s2], $0x80, v3, vm0, $0xb8;
	[tilespmem:$0x18200] =	vst v63  }
0x16f: {  	v3 =	vld [tilespmem:$0x80];
	_ =	sdelay $0x4  }
0x170: {  	v56 =	vshrl.u32 v3, $0x3  }
0x171: {  	v4 =	vmul.u32 $0x18, v56  }
0x172: {  	v3 =	vand.u32 $0x7, v3  }
0x173: {  	v3 =	vor.u32 v3, v4  }
0x174: {  	v4 =	vperm.xlane v3, v0;
	_ =	sdelay $0x1  }
0x175: {  	v3 =	vperm.xlane v3, v2;
	v4 =	vadd.s32 v1, v4;
	_ =	sdelay $0x1  }
0x176: {  	v3 =	vadd.s32 v1, v3;
	_ =	sdelay $0x1  }
0x177: {  	s15 =	simm.s32 $0xC600  }
0x178: {  	[tilespmem:s15], [sflag:$0x2] =	stream.indirect_vreg.gather [hbm4b:s6+s2], $0x80, v4, vm0, $0xb8;
	[tilespmem:$0x18200] =	vst v63  }
0x179: {  	s15 =	simm.s32 $0xD200  }
0x17a: {  	[tilespmem:s15], [sflag:$0x2] =	stream.indirect_vreg.gather [hbm4b:s6+s2], $0x80, v3, vm0, $0xb8;
	[tilespmem:$0x18200] =	vst v63  }
0x17b: {  	v3 =	vld [tilespmem:$0x90];
	_ =	sdelay $0x4  }
0x17c: {  	v57 =	vshrl.u32 v3, $0x3  }
0x17d: {  	v4 =	vmul.u32 $0x18, v57  }
0x17e: {  	v3 =	vand.u32 $0x7, v3  }
0x17f: {  	v3 =	vor.u32 v3, v4  }
0x180: {  	v4 =	vperm.xlane v3, v0;
	_ =	sdelay $0x1  }
0x181: {  	v3 =	vperm.xlane v3, v2;
	v4 =	vadd.s32 v1, v4;
	_ =	sdelay $0x1  }
0x182: {  	v3 =	vadd.s32 v1, v3;
	_ =	sdelay $0x1  }
0x183: {  	s15 =	simm.s32 $0xDE00  }
0x184: {  	[tilespmem:s15], [sflag:$0x2] =	stream.indirect_vreg.gather [hbm4b:s6+s2], $0x80, v4, vm0, $0xb8;
	[tilespmem:$0x18200] =	vst v63  }
0x185: {  	s15 =	simm.s32 $0xEA00  }
0x186: {  	[tilespmem:s15], [sflag:$0x2] =	stream.indirect_vreg.gather [hbm4b:s6+s2], $0x80, v3, vm0, $0xb8;
	[tilespmem:$0x18200] =	vst v63  }
0x187: {  	v3 =	vld [tilespmem:$0xA0];
	_ =	sdelay $0x4  }
0x188: {  	v58 =	vshrl.u32 v3, $0x3  }
0x189: {  	v4 =	vmul.u32 $0x18, v58  }
0x18a: {  	v3 =	vand.u32 $0x7, v3  }
0x18b: {  	v3 =	vor.u32 v3, v4  }
0x18c: {  	v4 =	vperm.xlane v3, v0;
	_ =	sdelay $0x1  }
0x18d: {  	v3 =	vperm.xlane v3, v2;
	v4 =	vadd.s32 v1, v4;
	_ =	sdelay $0x1  }
0x18e: {  	v3 =	vadd.s32 v1, v3;
	_ =	sdelay $0x1  }
0x18f: {  	s15 =	simm.s32 $0xF600  }
0x190: {  	[tilespmem:s15], [sflag:$0x2] =	stream.indirect_vreg.gather [hbm4b:s6+s2], $0x80, v4, vm0, $0xb8;
	[tilespmem:$0x18200] =	vst v63  }
0x191: {  	s15 =	simm.s32 $0x10200  }
0x192: {  	[tilespmem:s15], [sflag:$0x2] =	stream.indirect_vreg.gather [hbm4b:s6+s2], $0x80, v3, vm0, $0xb8;
	[tilespmem:$0x18200] =	vst v63  }
0x193: {  	v3 =	vld [tilespmem:$0xB0];
	_ =	sdelay $0x4  }
0x194: {  	v59 =	vshrl.u32 v3, $0x3  }
0x195: {  	v4 =	vmul.u32 $0x18, v59  }
0x196: {  	v3 =	vand.u32 $0x7, v3  }
0x197: {  	v3 =	vor.u32 v3, v4  }
0x198: {  	v4 =	vperm.xlane v3, v0;
	_ =	sdelay $0x1  }
0x199: {  	v3 =	vperm.xlane v3, v2;
	v4 =	vadd.s32 v1, v4;
	_ =	sdelay $0x1  }
0x19a: {  	v3 =	vadd.s32 v1, v3;
	_ =	sdelay $0x1  }
0x19b: {  	s15 =	simm.s32 $0x10E00  }
0x19c: {  	[tilespmem:s15], [sflag:$0x2] =	stream.indirect_vreg.gather [hbm4b:s6+s2], $0x80, v4, vm0, $0xb8;
	[tilespmem:$0x18200] =	vst v63  }
0x19d: {  	s15 =	simm.s32 $0x11A00  }
0x19e: {  	[tilespmem:s15], [sflag:$0x2] =	stream.indirect_vreg.gather [hbm4b:s6+s2], $0x80, v3, vm0, $0xb8;
	[tilespmem:$0x18200] =	vst v63  }
0x19f: {  	v3 =	vld [tilespmem:$0xC0];
	_ =	sdelay $0x4  }
0x1a0: {  	v60 =	vshrl.u32 v3, $0x3  }
0x1a1: {  	v4 =	vmul.u32 $0x18, v60  }
0x1a2: {  	v3 =	vand.u32 $0x7, v3  }
0x1a3: {  	v3 =	vor.u32 v3, v4  }
0x1a4: {  	v4 =	vperm.xlane v3, v0;
	_ =	sdelay $0x1  }
0x1a5: {  	v3 =	vperm.xlane v3, v2;
	v4 =	vadd.s32 v1, v4;
	_ =	sdelay $0x1  }
0x1a6: {  	v3 =	vadd.s32 v1, v3;
	_ =	sdelay $0x1  }
0x1a7: {  	s15 =	simm.s32 $0x12600  }
0x1a8: {  	[tilespmem:s15], [sflag:$0x2] =	stream.indirect_vreg.gather [hbm4b:s6+s2], $0x80, v4, vm0, $0xb8;
	[tilespmem:$0x18200] =	vst v63  }
0x1a9: {  	s15 =	simm.s32 $0x13200  }
0x1aa: {  	[tilespmem:s15], [sflag:$0x2] =	stream.indirect_vreg.gather [hbm4b:s6+s2], $0x80, v3, vm0, $0xb8;
	[tilespmem:$0x18200] =	vst v63  }
0x1ab: {  	v3 =	vld [tilespmem:$0xD0];
	_ =	sdelay $0x4  }
0x1ac: {  	v61 =	vshrl.u32 v3, $0x3  }
0x1ad: {  	v4 =	vmul.u32 $0x18, v61  }
0x1ae: {  	v3 =	vand.u32 $0x7, v3  }
0x1af: {  	v3 =	vor.u32 v3, v4  }
0x1b0: {  	v4 =	vperm.xlane v3, v0;
	_ =	sdelay $0x1  }
0x1b1: {  	v3 =	vperm.xlane v3, v2;
	v4 =	vadd.s32 v1, v4;
	_ =	sdelay $0x1  }
0x1b2: {  	v3 =	vadd.s32 v1, v3;
	_ =	sdelay $0x1  }
0x1b3: {  	s15 =	simm.s32 $0x13E00  }
0x1b4: {  	[tilespmem:s15], [sflag:$0x2] =	stream.indirect_vreg.gather [hbm4b:s6+s2], $0x80, v4, vm0, $0xb8;
	[tilespmem:$0x18200] =	vst v63  }
0x1b5: {  	s15 =	simm.s32 $0x14A00  }
0x1b6: {  	[tilespmem:s15], [sflag:$0x2] =	stream.indirect_vreg.gather [hbm4b:s6+s2], $0x80, v3, vm0, $0xb8;
	[tilespmem:$0x18200] =	vst v63  }
0x1b7: {  	v3 =	vld [tilespmem:$0xE0];
	_ =	sdelay $0x4  }
0x1b8: {  	v62 =	vshrl.u32 v3, $0x3  }
0x1b9: {  	v4 =	vmul.u32 $0x18, v62  }
0x1ba: {  	v3 =	vand.u32 $0x7, v3  }
0x1bb: {  	v3 =	vor.u32 v3, v4  }
0x1bc: {  	v4 =	vperm.xlane v3, v0;
	_ =	sdelay $0x1  }
0x1bd: {  	v3 =	vperm.xlane v3, v2;
	v4 =	vadd.s32 v1, v4;
	_ =	sdelay $0x1  }
0x1be: {  	v3 =	vadd.s32 v1, v3;
	_ =	sdelay $0x1  }
0x1bf: {  	s15 =	simm.s32 $0x15600  }
0x1c0: {  	[tilespmem:s15], [sflag:$0x2] =	stream.indirect_vreg.gather [hbm4b:s6+s2], $0x80, v4, vm0, $0xb8;
	[tilespmem:$0x18200] =	vst v63  }
0x1c1: {  	s15 =	simm.s32 $0x16200  }
0x1c2: {  	[tilespmem:s15], [sflag:$0x2] =	stream.indirect_vreg.gather [hbm4b:s6+s2], $0x80, v3, vm0, $0xb8;
	[tilespmem:$0x18200] =	vst v63  }
0x1c3: {  	v3 =	vld [tilespmem:$0xF0];
	_ =	sdelay $0x4  }
0x1c4: {  	v63 =	vshrl.u32 v3, $0x3  }
0x1c5: {  	v4 =	vmul.u32 $0x18, v63  }
0x1c6: {  	v3 =	vand.u32 $0x7, v3  }
0x1c7: {  	v3 =	vor.u32 v3, v4  }
0x1c8: {  	v4 =	vperm.xlane v3, v0;
	_ =	sdelay $0x1  }
0x1c9: {  	v3 =	vperm.xlane v3, v2;
	v4 =	vadd.s32 v1, v4;
	_ =	sdelay $0x1  }
0x1ca: {  	v3 =	vadd.s32 v1, v3;
	_ =	sdelay $0x1  }
0x1cb: {  	s15 =	simm.s32 $0x16E00  }
0x1cc: {  	[tilespmem:s15], [sflag:$0x2] =	stream.indirect_vreg.gather [hbm4b:s6+s2], $0x80, v4, vm0, $0xb8;
	[tilespmem:$0x18200] =	vst v63  }
0x1cd: {  	s15 =	simm.s32 $0x17A00  }
0x1ce: {  	[tilespmem:s15], [sflag:$0x2] =	stream.indirect_vreg.gather [hbm4b:s6+s2], $0x80, v3, vm0, $0xb8;
	[tilespmem:$0x18200] =	vst v63  }
0x1cf: {  	v3 =	vld [tilespmem:$0x80];
	_ =	sdelay $0x4  }
0x1d0: {  	v8 =	vperm.xlane v3, v0;
	_ =	sdelay $0x1  }
0x1d1: {  	v3 =	vperm.xlane v3, v2;
	v4 =	vadd.s32 v1, v8;
	_ =	sdelay $0x1  }
0x1d2: {  	v3 =	vadd.s32 v1, v3;
	_ =	sdelay $0x1  }
0x1d3: {  	s15 =	simm.s32 $0xCA00  }
0x1d4: {  	[tilespmem:s15], [sflag:$0x2] =	stream.indirect_vreg.gather [hbm4b:s4+s2], $0x80, v4, vm0, $0xb8;
	[tilespmem:$0x18200] =	vst v63  }
0x1d5: {  	s15 =	simm.s32 $0xD600  }
0x1d6: {  	[tilespmem:s15], [sflag:$0x2] =	stream.indirect_vreg.gather [hbm4b:s4+s2], $0x80, v3, vm0, $0xb8;
	[tilespmem:$0x18200] =	vst v63  }
0x1d7: {  	v3 =	vld [tilespmem:$0x90];
	_ =	sdelay $0x4  }
0x1d8: {  	v9 =	vperm.xlane v3, v0;
	_ =	sdelay $0x1  }
0x1d9: {  	v3 =	vperm.xlane v3, v2;
	v4 =	vadd.s32 v1, v9;
	_ =	sdelay $0x1  }
0x1da: {  	v3 =	vadd.s32 v1, v3;
	_ =	sdelay $0x1  }
0x1db: {  	s15 =	simm.s32 $0xE200  }
0x1dc: {  	[tilespmem:s15], [sflag:$0x2] =	stream.indirect_vreg.gather [hbm4b:s4+s2], $0x80, v4, vm0, $0xb8;
	[tilespmem:$0x18200] =	vst v63  }
0x1dd: {  	s15 =	simm.s32 $0xEE00  }
0x1de: {  	[tilespmem:s15], [sflag:$0x2] =	stream.indirect_vreg.gather [hbm4b:s4+s2], $0x80, v3, vm0, $0xb8;
	[tilespmem:$0x18200] =	vst v63  }
0x1df: {  	v3 =	vld [tilespmem:$0xA0];
	_ =	sdelay $0x4  }
0x1e0: {  	v10 =	vperm.xlane v3, v0;
	_ =	sdelay $0x1  }
0x1e1: {  	v3 =	vperm.xlane v3, v2;
	v4 =	vadd.s32 v1, v10;
	_ =	sdelay $0x1  }
0x1e2: {  	v3 =	vadd.s32 v1, v3;
	_ =	sdelay $0x1  }
0x1e3: {  	s15 =	simm.s32 $0xFA00  }
0x1e4: {  	[tilespmem:s15], [sflag:$0x2] =	stream.indirect_vreg.gather [hbm4b:s4+s2], $0x80, v4, vm0, $0xb8;
	[tilespmem:$0x18200] =	vst v63  }
0x1e5: {  	s15 =	simm.s32 $0x10600  }
0x1e6: {  	[tilespmem:s15], [sflag:$0x2] =	stream.indirect_vreg.gather [hbm4b:s4+s2], $0x80, v3, vm0, $0xb8;
	[tilespmem:$0x18200] =	vst v63  }
0x1e7: {  	v3 =	vld [tilespmem:$0xB0];
	_ =	sdelay $0x4  }
0x1e8: {  	v11 =	vperm.xlane v3, v0;
	_ =	sdelay $0x1  }
0x1e9: {  	v3 =	vperm.xlane v3, v2;
	v4 =	vadd.s32 v1, v11;
	_ =	sdelay $0x1  }
0x1ea: {  	v3 =	vadd.s32 v1, v3;
	_ =	sdelay $0x1  }
0x1eb: {  	s15 =	simm.s32 $0x11200  }
0x1ec: {  	[tilespmem:s15], [sflag:$0x2] =	stream.indirect_vreg.gather [hbm4b:s4+s2], $0x80, v4, vm0, $0xb8;
	[tilespmem:$0x18200] =	vst v63  }
0x1ed: {  	s15 =	simm.s32 $0x11E00  }
0x1ee: {  	[tilespmem:s15], [sflag:$0x2] =	stream.indirect_vreg.gather [hbm4b:s4+s2], $0x80, v3, vm0, $0xb8;
	[tilespmem:$0x18200] =	vst v63  }
0x1ef: {  	v3 =	vld [tilespmem:$0xC0];
	_ =	sdelay $0x4  }
0x1f0: {  	v12 =	vperm.xlane v3, v0;
	_ =	sdelay $0x1  }
0x1f1: {  	v3 =	vperm.xlane v3, v2;
	v4 =	vadd.s32 v1, v12;
	_ =	sdelay $0x1  }
0x1f2: {  	v3 =	vadd.s32 v1, v3;
	_ =	sdelay $0x1  }
0x1f3: {  	s15 =	simm.s32 $0x12A00  }
0x1f4: {  	[tilespmem:s15], [sflag:$0x2] =	stream.indirect_vreg.gather [hbm4b:s4+s2], $0x80, v4, vm0, $0xb8;
	[tilespmem:$0x18200] =	vst v63  }
0x1f5: {  	s15 =	simm.s32 $0x13600  }
0x1f6: {  	[tilespmem:s15], [sflag:$0x2] =	stream.indirect_vreg.gather [hbm4b:s4+s2], $0x80, v3, vm0, $0xb8;
	[tilespmem:$0x18200] =	vst v63  }
0x1f7: {  	v3 =	vld [tilespmem:$0xD0];
	_ =	sdelay $0x4  }
0x1f8: {  	v13 =	vperm.xlane v3, v0;
	_ =	sdelay $0x1  }
0x1f9: {  	v3 =	vperm.xlane v3, v2;
	v4 =	vadd.s32 v1, v13;
	_ =	sdelay $0x1  }
0x1fa: {  	v3 =	vadd.s32 v1, v3;
	_ =	sdelay $0x1  }
0x1fb: {  	s15 =	simm.s32 $0x14200  }
0x1fc: {  	[tilespmem:s15], [sflag:$0x2] =	stream.indirect_vreg.gather [hbm4b:s4+s2], $0x80, v4, vm0, $0xb8;
	[tilespmem:$0x18200] =	vst v63  }
0x1fd: {  	s15 =	simm.s32 $0x14E00  }
0x1fe: {  	[tilespmem:s15], [sflag:$0x2] =	stream.indirect_vreg.gather [hbm4b:s4+s2], $0x80, v3, vm0, $0xb8;
	[tilespmem:$0x18200] =	vst v63  }
0x1ff: {  	v3 =	vld [tilespmem:$0xE0];
	_ =	sdelay $0x4  }
0x200: {  	v14 =	vperm.xlane v3, v0;
	_ =	sdelay $0x1  }
0x201: {  	v3 =	vperm.xlane v3, v2;
	v4 =	vadd.s32 v1, v14;
	_ =	sdelay $0x1  }
0x202: {  	v3 =	vadd.s32 v1, v3;
	_ =	sdelay $0x1  }
0x203: {  	s15 =	simm.s32 $0x15A00  }
0x204: {  	[tilespmem:s15], [sflag:$0x2] =	stream.indirect_vreg.gather [hbm4b:s4+s2], $0x80, v4, vm0, $0xb8;
	[tilespmem:$0x18200] =	vst v63  }
0x205: {  	s15 =	simm.s32 $0x16600  }
0x206: {  	[tilespmem:s15], [sflag:$0x2] =	stream.indirect_vreg.gather [hbm4b:s4+s2], $0x80, v3, vm0, $0xb8;
	[tilespmem:$0x18200] =	vst v63  }
0x207: {  	v3 =	vld [tilespmem:$0xF0];
	_ =	sdelay $0x4  }
0x208: {  	v15 =	vperm.xlane v3, v0;
	_ =	sdelay $0x1  }
0x209: {  	v3 =	vperm.xlane v3, v2;
	v4 =	vadd.s32 v1, v15;
	_ =	sdelay $0x1  }
0x20a: {  	v3 =	vadd.s32 v1, v3;
	_ =	sdelay $0x1  }
0x20b: {  	s15 =	simm.s32 $0x17200  }
0x20c: {  	[tilespmem:s15], [sflag:$0x2] =	stream.indirect_vreg.gather [hbm4b:s4+s2], $0x80, v4, vm0, $0xb8;
	[tilespmem:$0x18200] =	vst v63  }
0x20d: {  	s15 =	simm.s32 $0x17E00  }
0x20e: {  	[tilespmem:s15], [sflag:$0x2] =	stream.indirect_vreg.gather [hbm4b:s4+s2], $0x80, v3, vm0, $0xb8;
	[tilespmem:$0x18200] =	vst v63  }
0x20f: {  	_ =	swait.ge [sflag:s13], $0x4000  }
0x210: {  	[sflag:s13] =	ssyncset.done $0x0  }
0x211: {  	[sflag:s13] =	ssyncadd.s32 $0xFFFFC000  }
0x212: {  	_ =	swait.ge [sflag:s13], $0x4000  }
0x213: {  	[sflag:s13] =	ssyncset.done $0x0  }
0x214: {  	[sflag:s13] =	ssyncadd.s32 $0xFFFFC000  }
0x215: {  	_ =	swait.ge [sflag:s13], $0x4000  }
0x216: {  	[sflag:s13] =	ssyncset.done $0x0  }
0x217: {  	s0 =	simm.s32 $0x200;
	s15 =	rddreg [dreg:$0x8];
	[sflag:s13] =	ssyncadd.s32 $0xFFFFC000  }
0x218: {  	[hbm4b:s15+s2] =	stream.linear.scatter [tilespmem:s0], [sflag:$0x3], $0xC000, $0x38;
	[tilespmem:$0x18200] =	vst v63  }
0x219: {  	_ =	swait.ge [sflag:s8], $0xC000  }
0x21a: {  	[sflag:s8] =	ssyncset.done $0x0  }
0x21b: {  	[sflag:s8] =	ssyncadd.s32 $0xFFFF4000  }
0x21c: {  	v3 =	vld [tilespmem:$0x100];
	_ =	sdelay $0x4  }
0x21d: {  	v16 =	vshrl.u32 v3, $0x3  }
0x21e: {  	v4 =	vmul.u32 $0x18, v16  }
0x21f: {  	v3 =	vand.u32 $0x7, v3  }
0x220: {  	v3 =	vor.u32 v3, v4  }
0x221: {  	v4 =	vperm.xlane v3, v0;
	_ =	sdelay $0x1  }
0x222: {  	v3 =	vperm.xlane v3, v2;
	v4 =	vadd.s32 v1, v4;
	_ =	sdelay $0x1  }
0x223: {  	v3 =	vadd.s32 v1, v3;
	_ =	sdelay $0x2  }
0x224: {  	[tilespmem:s0], [sflag:$0x1] =	stream.indirect_vreg.gather [hbm4b:s3+s2], $0x80, v4, vm0, $0xb8;
	[tilespmem:$0x18200] =	vst v63  }
0x225: {  	_ = 	snop  }
0x226: {  	[tilespmem:s16], [sflag:$0x1] =	stream.indirect_vreg.gather [hbm4b:s3+s2], $0x80, v3, vm0, $0xb8;
	[tilespmem:$0x18200] =	vst v63  }
0x227: {  	v3 =	vld [tilespmem:$0x110];
	_ =	sdelay $0x4  }
0x228: {  	v17 =	vshrl.u32 v3, $0x3  }
0x229: {  	v4 =	vmul.u32 $0x18, v17  }
0x22a: {  	v3 =	vand.u32 $0x7, v3  }
0x22b: {  	v3 =	vor.u32 v3, v4  }
0x22c: {  	v4 =	vperm.xlane v3, v0;
	_ =	sdelay $0x1  }
0x22d: {  	v3 =	vperm.xlane v3, v2;
	v4 =	vadd.s32 v1, v4;
	_ =	sdelay $0x1  }
0x22e: {  	v3 =	vadd.s32 v1, v3;
	_ =	sdelay $0x2  }
0x22f: {  	[tilespmem:s17], [sflag:$0x1] =	stream.indirect_vreg.gather [hbm4b:s3+s2], $0x80, v4, vm0, $0xb8;
	[tilespmem:$0x18200] =	vst v63  }
0x230: {  	_ = 	snop  }
0x231: {  	[tilespmem:s18], [sflag:$0x1] =	stream.indirect_vreg.gather [hbm4b:s3+s2], $0x80, v3, vm0, $0xb8;
	[tilespmem:$0x18200] =	vst v63  }
0x232: {  	v3 =	vld [tilespmem:$0x120];
	_ =	sdelay $0x4  }
0x233: {  	v18 =	vshrl.u32 v3, $0x3  }
0x234: {  	v4 =	vmul.u32 $0x18, v18  }
0x235: {  	v3 =	vand.u32 $0x7, v3  }
0x236: {  	v3 =	vor.u32 v3, v4  }
0x237: {  	v4 =	vperm.xlane v3, v0;
	_ =	sdelay $0x1  }
0x238: {  	v3 =	vperm.xlane v3, v2;
	v4 =	vadd.s32 v1, v4;
	_ =	sdelay $0x1  }
0x239: {  	v3 =	vadd.s32 v1, v3;
	_ =	sdelay $0x2  }
0x23a: {  	[tilespmem:s19], [sflag:$0x1] =	stream.indirect_vreg.gather [hbm4b:s3+s2], $0x80, v4, vm0, $0xb8;
	[tilespmem:$0x18200] =	vst v63  }
0x23b: {  	_ = 	snop  }
0x23c: {  	[tilespmem:s20], [sflag:$0x1] =	stream.indirect_vreg.gather [hbm4b:s3+s2], $0x80, v3, vm0, $0xb8;
	[tilespmem:$0x18200] =	vst v63  }
0x23d: {  	v3 =	vld [tilespmem:$0x130];
	_ =	sdelay $0x4  }
0x23e: {  	v19 =	vshrl.u32 v3, $0x3  }
0x23f: {  	v4 =	vmul.u32 $0x18, v19  }
0x240: {  	v3 =	vand.u32 $0x7, v3  }
0x241: {  	v3 =	vor.u32 v3, v4  }
0x242: {  	v4 =	vperm.xlane v3, v0;
	_ =	sdelay $0x1  }
0x243: {  	v3 =	vperm.xlane v3, v2;
	v4 =	vadd.s32 v1, v4;
	_ =	sdelay $0x1  }
0x244: {  	v3 =	vadd.s32 v1, v3;
	_ =	sdelay $0x2  }
0x245: {  	[tilespmem:s21], [sflag:$0x1] =	stream.indirect_vreg.gather [hbm4b:s3+s2], $0x80, v4, vm0, $0xb8;
	[tilespmem:$0x18200] =	vst v63  }
0x246: {  	_ = 	snop  }
0x247: {  	[tilespmem:s5], [sflag:$0x1] =	stream.indirect_vreg.gather [hbm4b:s3+s2], $0x80, v3, vm0, $0xb8;
	[tilespmem:$0x18200] =	vst v63  }
0x248: {  	v3 =	vld [tilespmem:$0x140];
	_ =	sdelay $0x4  }
0x249: {  	v20 =	vshrl.u32 v3, $0x3  }
0x24a: {  	v4 =	vmul.u32 $0x18, v20  }
0x24b: {  	v3 =	vand.u32 $0x7, v3  }
0x24c: {  	v3 =	vor.u32 v3, v4  }
0x24d: {  	v4 =	vperm.xlane v3, v0;
	_ =	sdelay $0x1  }
0x24e: {  	v3 =	vperm.xlane v3, v2;
	v4 =	vadd.s32 v1, v4;
	_ =	sdelay $0x1  }
0x24f: {  	v3 =	vadd.s32 v1, v3;
	_ =	sdelay $0x2  }
0x250: {  	[tilespmem:s22], [sflag:$0x1] =	stream.indirect_vreg.gather [hbm4b:s3+s2], $0x80, v4, vm0, $0xb8;
	[tilespmem:$0x18200] =	vst v63  }
0x251: {  	_ = 	snop  }
0x252: {  	[tilespmem:s23], [sflag:$0x1] =	stream.indirect_vreg.gather [hbm4b:s3+s2], $0x80, v3, vm0, $0xb8;
	[tilespmem:$0x18200] =	vst v63  }
0x253: {  	v3 =	vld [tilespmem:$0x150];
	_ =	sdelay $0x4  }
0x254: {  	v21 =	vshrl.u32 v3, $0x3  }
0x255: {  	v4 =	vmul.u32 $0x18, v21  }
0x256: {  	v3 =	vand.u32 $0x7, v3  }
0x257: {  	v3 =	vor.u32 v3, v4  }
0x258: {  	v4 =	vperm.xlane v3, v0;
	_ =	sdelay $0x1  }
0x259: {  	v3 =	vperm.xlane v3, v2;
	v4 =	vadd.s32 v1, v4;
	_ =	sdelay $0x1  }
0x25a: {  	v3 =	vadd.s32 v1, v3;
	_ =	sdelay $0x2  }
0x25b: {  	[tilespmem:s24], [sflag:$0x1] =	stream.indirect_vreg.gather [hbm4b:s3+s2], $0x80, v4, vm0, $0xb8;
	[tilespmem:$0x18200] =	vst v63  }
0x25c: {  	_ = 	snop  }
0x25d: {  	[tilespmem:s25], [sflag:$0x1] =	stream.indirect_vreg.gather [hbm4b:s3+s2], $0x80, v3, vm0, $0xb8;
	[tilespmem:$0x18200] =	vst v63  }
0x25e: {  	v3 =	vld [tilespmem:$0x160];
	_ =	sdelay $0x4  }
0x25f: {  	v22 =	vshrl.u32 v3, $0x3  }
0x260: {  	v4 =	vmul.u32 $0x18, v22  }
0x261: {  	v3 =	vand.u32 $0x7, v3  }
0x262: {  	v3 =	vor.u32 v3, v4  }
0x263: {  	v4 =	vperm.xlane v3, v0;
	_ =	sdelay $0x1  }
0x264: {  	v3 =	vperm.xlane v3, v2;
	v4 =	vadd.s32 v1, v4;
	_ =	sdelay $0x1  }
0x265: {  	v3 =	vadd.s32 v1, v3;
	_ =	sdelay $0x2  }
0x266: {  	[tilespmem:s26], [sflag:$0x1] =	stream.indirect_vreg.gather [hbm4b:s3+s2], $0x80, v4, vm0, $0xb8;
	[tilespmem:$0x18200] =	vst v63  }
0x267: {  	_ = 	snop  }
0x268: {  	[tilespmem:s28], [sflag:$0x1] =	stream.indirect_vreg.gather [hbm4b:s3+s2], $0x80, v3, vm0, $0xb8;
	[tilespmem:$0x18200] =	vst v63  }
0x269: {  	v3 =	vld [tilespmem:$0x170];
	_ =	sdelay $0x4  }
0x26a: {  	v23 =	vshrl.u32 v3, $0x3  }
0x26b: {  	v4 =	vmul.u32 $0x18, v23  }
0x26c: {  	v3 =	vand.u32 $0x7, v3  }
0x26d: {  	v3 =	vor.u32 v3, v4  }
0x26e: {  	v4 =	vperm.xlane v3, v0;
	_ =	sdelay $0x1  }
0x26f: {  	v3 =	vperm.xlane v3, v2;
	v4 =	vadd.s32 v1, v4;
	_ =	sdelay $0x1  }
0x270: {  	v3 =	vadd.s32 v1, v3;
	_ =	sdelay $0x2  }
0x271: {  	[tilespmem:s29], [sflag:$0x1] =	stream.indirect_vreg.gather [hbm4b:s3+s2], $0x80, v4, vm0, $0xb8;
	[tilespmem:$0x18200] =	vst v63  }
0x272: {  	_ = 	snop  }
0x273: {  	[tilespmem:s30], [sflag:$0x1] =	stream.indirect_vreg.gather [hbm4b:s3+s2], $0x80, v3, vm0, $0xb8;
	[tilespmem:$0x18200] =	vst v63  }
0x274: {  	v3 =	vld [tilespmem:$0x100];
	_ =	sdelay $0x4  }
0x275: {  	v24 =	vshrl.u32 v3, $0x3  }
0x276: {  	v4 =	vmul.u32 $0x18, v24  }
0x277: {  	v3 =	vand.u32 $0x7, v3  }
0x278: {  	v3 =	vor.u32 v3, v4  }
0x279: {  	v4 =	vperm.xlane v3, v0;
	_ =	sdelay $0x1  }
0x27a: {  	v3 =	vperm.xlane v3, v2;
	v4 =	vadd.s32 v1, v4;
	_ =	sdelay $0x1  }
0x27b: {  	v3 =	vadd.s32 v1, v3;
	_ =	sdelay $0x2  }
0x27c: {  	[tilespmem:s31], [sflag:$0x1] =	stream.indirect_vreg.gather [hbm4b:s6+s2], $0x80, v4, vm0, $0xb8;
	[tilespmem:$0x18200] =	vst v63  }
0x27d: {  	s15 =	simm.s32 $0x1200  }
0x27e: {  	[tilespmem:s15], [sflag:$0x1] =	stream.indirect_vreg.gather [hbm4b:s6+s2], $0x80, v3, vm0, $0xb8;
	[tilespmem:$0x18200] =	vst v63  }
0x27f: {  	v3 =	vld [tilespmem:$0x110];
	_ =	sdelay $0x4  }
0x280: {  	v25 =	vshrl.u32 v3, $0x3  }
0x281: {  	v4 =	vmul.u32 $0x18, v25  }
0x282: {  	v3 =	vand.u32 $0x7, v3  }
0x283: {  	v3 =	vor.u32 v3, v4  }
0x284: {  	v4 =	vperm.xlane v3, v0;
	_ =	sdelay $0x1  }
0x285: {  	v3 =	vperm.xlane v3, v2;
	v4 =	vadd.s32 v1, v4;
	_ =	sdelay $0x1  }
0x286: {  	v3 =	vadd.s32 v1, v3;
	_ =	sdelay $0x1  }
0x287: {  	s15 =	simm.s32 $0x1E00  }
0x288: {  	[tilespmem:s15], [sflag:$0x1] =	stream.indirect_vreg.gather [hbm4b:s6+s2], $0x80, v4, vm0, $0xb8;
	[tilespmem:$0x18200] =	vst v63  }
0x289: {  	_ = 	snop  }
0x28a: {  	[tilespmem:s10], [sflag:$0x1] =	stream.indirect_vreg.gather [hbm4b:s6+s2], $0x80, v3, vm0, $0xb8;
	[tilespmem:$0x18200] =	vst v63  }
0x28b: {  	v3 =	vld [tilespmem:$0x120];
	_ =	sdelay $0x4  }
0x28c: {  	v26 =	vshrl.u32 v3, $0x3  }
0x28d: {  	v4 =	vmul.u32 $0x18, v26  }
0x28e: {  	v3 =	vand.u32 $0x7, v3  }
0x28f: {  	v3 =	vor.u32 v3, v4  }
0x290: {  	v4 =	vperm.xlane v3, v0;
	_ =	sdelay $0x1  }
0x291: {  	v3 =	vperm.xlane v3, v2;
	v4 =	vadd.s32 v1, v4;
	_ =	sdelay $0x1  }
0x292: {  	v3 =	vadd.s32 v1, v3;
	_ =	sdelay $0x2  }
0x293: {  	[tilespmem:s12], [sflag:$0x1] =	stream.indirect_vreg.gather [hbm4b:s6+s2], $0x80, v4, vm0, $0xb8;
	[tilespmem:$0x18200] =	vst v63  }
0x294: {  	_ = 	snop  }
0x295: {  	[tilespmem:s9], [sflag:$0x1] =	stream.indirect_vreg.gather [hbm4b:s6+s2], $0x80, v3, vm0, $0xb8;
	[tilespmem:$0x18200] =	vst v63  }
0x296: {  	v3 =	vld [tilespmem:$0x130];
	_ =	sdelay $0x4  }
0x297: {  	v27 =	vshrl.u32 v3, $0x3  }
0x298: {  	v4 =	vmul.u32 $0x18, v27  }
0x299: {  	v3 =	vand.u32 $0x7, v3  }
0x29a: {  	v3 =	vor.u32 v3, v4  }
0x29b: {  	v4 =	vperm.xlane v3, v0;
	_ =	sdelay $0x1  }
0x29c: {  	v3 =	vperm.xlane v3, v2;
	v4 =	vadd.s32 v1, v4;
	_ =	sdelay $0x1  }
0x29d: {  	v3 =	vadd.s32 v1, v3;
	_ =	sdelay $0x2  }
0x29e: {  	[tilespmem:s11], [sflag:$0x1] =	stream.indirect_vreg.gather [hbm4b:s6+s2], $0x80, v4, vm0, $0xb8;
	[tilespmem:$0x18200] =	vst v63  }
0x29f: {  	s15 =	simm.s32 $0x5A00  }
0x2a0: {  	[tilespmem:s15], [sflag:$0x1] =	stream.indirect_vreg.gather [hbm4b:s6+s2], $0x80, v3, vm0, $0xb8;
	[tilespmem:$0x18200] =	vst v63  }
0x2a1: {  	v3 =	vld [tilespmem:$0x140];
	_ =	sdelay $0x4  }
0x2a2: {  	v28 =	vshrl.u32 v3, $0x3  }
0x2a3: {  	v4 =	vmul.u32 $0x18, v28  }
0x2a4: {  	v3 =	vand.u32 $0x7, v3  }
0x2a5: {  	v3 =	vor.u32 v3, v4  }
0x2a6: {  	v4 =	vperm.xlane v3, v0;
	_ =	sdelay $0x1  }
0x2a7: {  	v3 =	vperm.xlane v3, v2;
	v4 =	vadd.s32 v1, v4;
	_ =	sdelay $0x1  }
0x2a8: {  	v3 =	vadd.s32 v1, v3;
	_ =	sdelay $0x1  }
0x2a9: {  	s15 =	simm.s32 $0x6600  }
0x2aa: {  	[tilespmem:s15], [sflag:$0x1] =	stream.indirect_vreg.gather [hbm4b:s6+s2], $0x80, v4, vm0, $0xb8;
	[tilespmem:$0x18200] =	vst v63  }
0x2ab: {  	s15 =	simm.s32 $0x7200  }
0x2ac: {  	[tilespmem:s15], [sflag:$0x1] =	stream.indirect_vreg.gather [hbm4b:s6+s2], $0x80, v3, vm0, $0xb8;
	[tilespmem:$0x18200] =	vst v63  }
0x2ad: {  	v3 =	vld [tilespmem:$0x150];
	_ =	sdelay $0x4  }
0x2ae: {  	v29 =	vshrl.u32 v3, $0x3  }
0x2af: {  	v4 =	vmul.u32 $0x18, v29  }
0x2b0: {  	v3 =	vand.u32 $0x7, v3  }
0x2b1: {  	v3 =	vor.u32 v3, v4  }
0x2b2: {  	v4 =	vperm.xlane v3, v0;
	_ =	sdelay $0x1  }
0x2b3: {  	v3 =	vperm.xlane v3, v2;
	v4 =	vadd.s32 v1, v4;
	_ =	sdelay $0x1  }
0x2b4: {  	v3 =	vadd.s32 v1, v3;
	_ =	sdelay $0x1  }
0x2b5: {  	s15 =	simm.s32 $0x7E00  }
0x2b6: {  	[tilespmem:s15], [sflag:$0x1] =	stream.indirect_vreg.gather [hbm4b:s6+s2], $0x80, v4, vm0, $0xb8;
	[tilespmem:$0x18200] =	vst v63  }
0x2b7: {  	s15 =	simm.s32 $0x8A00  }
0x2b8: {  	[tilespmem:s15], [sflag:$0x1] =	stream.indirect_vreg.gather [hbm4b:s6+s2], $0x80, v3, vm0, $0xb8;
	[tilespmem:$0x18200] =	vst v63  }
0x2b9: {  	v3 =	vld [tilespmem:$0x160];
	_ =	sdelay $0x4  }
0x2ba: {  	v30 =	vshrl.u32 v3, $0x3  }
0x2bb: {  	v4 =	vmul.u32 $0x18, v30  }
0x2bc: {  	v3 =	vand.u32 $0x7, v3  }
0x2bd: {  	v3 =	vor.u32 v3, v4  }
0x2be: {  	v4 =	vperm.xlane v3, v0;
	_ =	sdelay $0x1  }
0x2bf: {  	v3 =	vperm.xlane v3, v2;
	v4 =	vadd.s32 v1, v4;
	_ =	sdelay $0x1  }
0x2c0: {  	v3 =	vadd.s32 v1, v3;
	_ =	sdelay $0x1  }
0x2c1: {  	s15 =	simm.s32 $0x9600  }
0x2c2: {  	[tilespmem:s15], [sflag:$0x1] =	stream.indirect_vreg.gather [hbm4b:s6+s2], $0x80, v4, vm0, $0xb8;
	[tilespmem:$0x18200] =	vst v63  }
0x2c3: {  	s15 =	simm.s32 $0xA200  }
0x2c4: {  	[tilespmem:s15], [sflag:$0x1] =	stream.indirect_vreg.gather [hbm4b:s6+s2], $0x80, v3, vm0, $0xb8;
	[tilespmem:$0x18200] =	vst v63  }
0x2c5: {  	v3 =	vld [tilespmem:$0x170];
	_ =	sdelay $0x4  }
0x2c6: {  	v31 =	vshrl.u32 v3, $0x3  }
0x2c7: {  	v4 =	vmul.u32 $0x18, v31  }
0x2c8: {  	v3 =	vand.u32 $0x7, v3  }
0x2c9: {  	v3 =	vor.u32 v3, v4  }
0x2ca: {  	v4 =	vperm.xlane v3, v0;
	_ =	sdelay $0x1  }
0x2cb: {  	v3 =	vperm.xlane v3, v2;
	v4 =	vadd.s32 v1, v4;
	_ =	sdelay $0x1  }
0x2cc: {  	v3 =	vadd.s32 v1, v3;
	_ =	sdelay $0x1  }
0x2cd: {  	s15 =	simm.s32 $0xAE00  }
0x2ce: {  	[tilespmem:s15], [sflag:$0x1] =	stream.indirect_vreg.gather [hbm4b:s6+s2], $0x80, v4, vm0, $0xb8;
	[tilespmem:$0x18200] =	vst v63  }
0x2cf: {  	s15 =	simm.s32 $0xBA00  }
0x2d0: {  	[tilespmem:s15], [sflag:$0x1] =	stream.indirect_vreg.gather [hbm4b:s6+s2], $0x80, v3, vm0, $0xb8;
	[tilespmem:$0x18200] =	vst v63  }
0x2d1: {  	v3 =	vld [tilespmem:$0x100];
	_ =	sdelay $0x4  }
0x2d2: {  	v32 =	vperm.xlane v3, v0;
	_ =	sdelay $0x1  }
0x2d3: {  	v3 =	vperm.xlane v3, v2;
	v4 =	vadd.s32 v1, v32;
	_ =	sdelay $0x1  }
0x2d4: {  	v3 =	vadd.s32 v1, v3;
	_ =	sdelay $0x1  }
0x2d5: {  	s15 =	simm.s32 $0xA00  }
0x2d6: {  	[tilespmem:s15], [sflag:$0x1] =	stream.indirect_vreg.gather [hbm4b:s4+s2], $0x80, v4, vm0, $0xb8;
	[tilespmem:$0x18200] =	vst v63  }
0x2d7: {  	s15 =	simm.s32 $0x1600  }
0x2d8: {  	[tilespmem:s15], [sflag:$0x1] =	stream.indirect_vreg.gather [hbm4b:s4+s2], $0x80, v3, vm0, $0xb8;
	[tilespmem:$0x18200] =	vst v63  }
0x2d9: {  	v3 =	vld [tilespmem:$0x110];
	_ =	sdelay $0x4  }
0x2da: {  	v33 =	vperm.xlane v3, v0;
	_ =	sdelay $0x1  }
0x2db: {  	v3 =	vperm.xlane v3, v2;
	v4 =	vadd.s32 v1, v33;
	_ =	sdelay $0x1  }
0x2dc: {  	v3 =	vadd.s32 v1, v3;
	_ =	sdelay $0x1  }
0x2dd: {  	s15 =	simm.s32 $0x2200  }
0x2de: {  	[tilespmem:s15], [sflag:$0x1] =	stream.indirect_vreg.gather [hbm4b:s4+s2], $0x80, v4, vm0, $0xb8;
	[tilespmem:$0x18200] =	vst v63  }
0x2df: {  	s15 =	simm.s32 $0x2E00  }
0x2e0: {  	[tilespmem:s15], [sflag:$0x1] =	stream.indirect_vreg.gather [hbm4b:s4+s2], $0x80, v3, vm0, $0xb8;
	[tilespmem:$0x18200] =	vst v63  }
0x2e1: {  	v3 =	vld [tilespmem:$0x120];
	_ =	sdelay $0x4  }
0x2e2: {  	v34 =	vperm.xlane v3, v0;
	_ =	sdelay $0x1  }
0x2e3: {  	v3 =	vperm.xlane v3, v2;
	v4 =	vadd.s32 v1, v34;
	_ =	sdelay $0x1  }
0x2e4: {  	v3 =	vadd.s32 v1, v3;
	_ =	sdelay $0x1  }
0x2e5: {  	s15 =	simm.s32 $0x3A00  }
0x2e6: {  	[tilespmem:s15], [sflag:$0x1] =	stream.indirect_vreg.gather [hbm4b:s4+s2], $0x80, v4, vm0, $0xb8;
	[tilespmem:$0x18200] =	vst v63  }
0x2e7: {  	s15 =	simm.s32 $0x4600  }
0x2e8: {  	[tilespmem:s15], [sflag:$0x1] =	stream.indirect_vreg.gather [hbm4b:s4+s2], $0x80, v3, vm0, $0xb8;
	[tilespmem:$0x18200] =	vst v63  }
0x2e9: {  	v3 =	vld [tilespmem:$0x130];
	_ =	sdelay $0x4  }
0x2ea: {  	v35 =	vperm.xlane v3, v0;
	_ =	sdelay $0x1  }
0x2eb: {  	v3 =	vperm.xlane v3, v2;
	v4 =	vadd.s32 v1, v35;
	_ =	sdelay $0x1  }
0x2ec: {  	v3 =	vadd.s32 v1, v3;
	_ =	sdelay $0x1  }
0x2ed: {  	s15 =	simm.s32 $0x5200  }
0x2ee: {  	[tilespmem:s15], [sflag:$0x1] =	stream.indirect_vreg.gather [hbm4b:s4+s2], $0x80, v4, vm0, $0xb8;
	[tilespmem:$0x18200] =	vst v63  }
0x2ef: {  	s15 =	simm.s32 $0x5E00  }
0x2f0: {  	[tilespmem:s15], [sflag:$0x1] =	stream.indirect_vreg.gather [hbm4b:s4+s2], $0x80, v3, vm0, $0xb8;
	[tilespmem:$0x18200] =	vst v63  }
0x2f1: {  	v3 =	vld [tilespmem:$0x140];
	_ =	sdelay $0x4  }
0x2f2: {  	v36 =	vperm.xlane v3, v0;
	_ =	sdelay $0x1  }
0x2f3: {  	v3 =	vperm.xlane v3, v2;
	v4 =	vadd.s32 v1, v36;
	_ =	sdelay $0x1  }
0x2f4: {  	v3 =	vadd.s32 v1, v3;
	_ =	sdelay $0x1  }
0x2f5: {  	s15 =	simm.s32 $0x6A00  }
0x2f6: {  	[tilespmem:s15], [sflag:$0x1] =	stream.indirect_vreg.gather [hbm4b:s4+s2], $0x80, v4, vm0, $0xb8;
	[tilespmem:$0x18200] =	vst v63  }
0x2f7: {  	s15 =	simm.s32 $0x7600  }
0x2f8: {  	[tilespmem:s15], [sflag:$0x1] =	stream.indirect_vreg.gather [hbm4b:s4+s2], $0x80, v3, vm0, $0xb8;
	[tilespmem:$0x18200] =	vst v63  }
0x2f9: {  	v3 =	vld [tilespmem:$0x150];
	_ =	sdelay $0x4  }
0x2fa: {  	v37 =	vperm.xlane v3, v0;
	_ =	sdelay $0x1  }
0x2fb: {  	v3 =	vperm.xlane v3, v2;
	v4 =	vadd.s32 v1, v37;
	_ =	sdelay $0x1  }
0x2fc: {  	v3 =	vadd.s32 v1, v3;
	_ =	sdelay $0x1  }
0x2fd: {  	s15 =	simm.s32 $0x8200  }
0x2fe: {  	[tilespmem:s15], [sflag:$0x1] =	stream.indirect_vreg.gather [hbm4b:s4+s2], $0x80, v4, vm0, $0xb8;
	[tilespmem:$0x18200] =	vst v63  }
0x2ff: {  	s15 =	simm.s32 $0x8E00  }
0x300: {  	[tilespmem:s15], [sflag:$0x1] =	stream.indirect_vreg.gather [hbm4b:s4+s2], $0x80, v3, vm0, $0xb8;
	[tilespmem:$0x18200] =	vst v63  }
0x301: {  	v3 =	vld [tilespmem:$0x160];
	_ =	sdelay $0x4  }
0x302: {  	v38 =	vperm.xlane v3, v0;
	_ =	sdelay $0x1  }
0x303: {  	v3 =	vperm.xlane v3, v2;
	v4 =	vadd.s32 v1, v38;
	_ =	sdelay $0x1  }
0x304: {  	v3 =	vadd.s32 v1, v3;
	_ =	sdelay $0x1  }
0x305: {  	s15 =	simm.s32 $0x9A00  }
0x306: {  	[tilespmem:s15], [sflag:$0x1] =	stream.indirect_vreg.gather [hbm4b:s4+s2], $0x80, v4, vm0, $0xb8;
	[tilespmem:$0x18200] =	vst v63  }
0x307: {  	s15 =	simm.s32 $0xA600  }
0x308: {  	[tilespmem:s15], [sflag:$0x1] =	stream.indirect_vreg.gather [hbm4b:s4+s2], $0x80, v3, vm0, $0xb8;
	[tilespmem:$0x18200] =	vst v63  }
0x309: {  	v3 =	vld [tilespmem:$0x170];
	_ =	sdelay $0x4  }
0x30a: {  	v39 =	vperm.xlane v3, v0;
	_ =	sdelay $0x1  }
0x30b: {  	v3 =	vperm.xlane v3, v2;
	v4 =	vadd.s32 v1, v39;
	_ =	sdelay $0x1  }
0x30c: {  	v3 =	vadd.s32 v1, v3;
	_ =	sdelay $0x1  }
0x30d: {  	s15 =	simm.s32 $0xB200  }
0x30e: {  	[tilespmem:s15], [sflag:$0x1] =	stream.indirect_vreg.gather [hbm4b:s4+s2], $0x80, v4, vm0, $0xb8;
	[tilespmem:$0x18200] =	vst v63  }
0x30f: {  	s15 =	simm.s32 $0xBE00  }
0x310: {  	[tilespmem:s15], [sflag:$0x1] =	stream.indirect_vreg.gather [hbm4b:s4+s2], $0x80, v3, vm0, $0xb8;
	[tilespmem:$0x18200] =	vst v63  }
0x311: {  	_ =	swait.ge [sflag:s14], $0x4000  }
0x312: {  	[sflag:s14] =	ssyncset.done $0x0  }
0x313: {  	[sflag:s14] =	ssyncadd.s32 $0xFFFFC000  }
0x314: {  	_ =	swait.ge [sflag:s14], $0x4000  }
0x315: {  	[sflag:s14] =	ssyncset.done $0x0  }
0x316: {  	[sflag:s14] =	ssyncadd.s32 $0xFFFFC000  }
0x317: {  	_ =	swait.ge [sflag:s14], $0x4000  }
0x318: {  	[sflag:s14] =	ssyncset.done $0x0  }
0x319: {  	s0 =	rddreg [dreg:$0x5];
	[sflag:s14] =	ssyncadd.s32 $0xFFFFC000  }
0x31a: {  	[hbm4b:s0+s2] =	stream.linear.scatter [tilespmem:s1], [sflag:$0x3], $0xC000, $0x38;
	[tilespmem:$0x18200] =	vst v63  }
0x31b: {  	_ =	swait.ge [sflag:s8], $0xC000  }
0x31c: {  	[sflag:s8] =	ssyncset.done $0x0  }
0x31d: {  	[sflag:s8] =	ssyncadd.s32 $0xFFFF4000  }
0x31e: {  	v3 =	vld [tilespmem:$0x180];
	_ =	sdelay $0x4  }
0x31f: {  	v40 =	vshrl.u32 v3, $0x3  }
0x320: {  	v4 =	vmul.u32 $0x18, v40  }
0x321: {  	v3 =	vand.u32 $0x7, v3  }
0x322: {  	v3 =	vor.u32 v3, v4  }
0x323: {  	v4 =	vperm.xlane v3, v0;
	_ =	sdelay $0x1  }
0x324: {  	v3 =	vperm.xlane v3, v2;
	v4 =	vadd.s32 v1, v4;
	_ =	sdelay $0x1  }
0x325: {  	v3 =	vadd.s32 v1, v3;
	_ =	sdelay $0x2  }
0x326: {  	[tilespmem:s1], [sflag:$0x2] =	stream.indirect_vreg.gather [hbm4b:s3+s2], $0x80, v4, vm0, $0xb8;
	[tilespmem:$0x18200] =	vst v63  }
0x327: {  	s15 =	simm.s32 $0xCE00  }
0x328: {  	[tilespmem:s15], [sflag:$0x2] =	stream.indirect_vreg.gather [hbm4b:s3+s2], $0x80, v3, vm0, $0xb8;
	[tilespmem:$0x18200] =	vst v63  }
0x329: {  	v3 =	vld [tilespmem:$0x190];
	_ =	sdelay $0x4  }
0x32a: {  	v41 =	vshrl.u32 v3, $0x3  }
0x32b: {  	v4 =	vmul.u32 $0x18, v41  }
0x32c: {  	v3 =	vand.u32 $0x7, v3  }
0x32d: {  	v3 =	vor.u32 v3, v4  }
0x32e: {  	v4 =	vperm.xlane v3, v0;
	_ =	sdelay $0x1  }
0x32f: {  	v3 =	vperm.xlane v3, v2;
	v4 =	vadd.s32 v1, v4;
	_ =	sdelay $0x1  }
0x330: {  	v3 =	vadd.s32 v1, v3;
	_ =	sdelay $0x1  }
0x331: {  	s15 =	simm.s32 $0xDA00  }
0x332: {  	[tilespmem:s15], [sflag:$0x2] =	stream.indirect_vreg.gather [hbm4b:s3+s2], $0x80, v4, vm0, $0xb8;
	[tilespmem:$0x18200] =	vst v63  }
0x333: {  	s15 =	simm.s32 $0xE600  }
0x334: {  	[tilespmem:s15], [sflag:$0x2] =	stream.indirect_vreg.gather [hbm4b:s3+s2], $0x80, v3, vm0, $0xb8;
	[tilespmem:$0x18200] =	vst v63  }
0x335: {  	v3 =	vld [tilespmem:$0x1A0];
	_ =	sdelay $0x4  }
0x336: {  	v42 =	vshrl.u32 v3, $0x3  }
0x337: {  	v4 =	vmul.u32 $0x18, v42  }
0x338: {  	v3 =	vand.u32 $0x7, v3  }
0x339: {  	v3 =	vor.u32 v3, v4  }
0x33a: {  	v4 =	vperm.xlane v3, v0;
	_ =	sdelay $0x1  }
0x33b: {  	v3 =	vperm.xlane v3, v2;
	v4 =	vadd.s32 v1, v4;
	_ =	sdelay $0x1  }
0x33c: {  	v3 =	vadd.s32 v1, v3;
	_ =	sdelay $0x1  }
0x33d: {  	s15 =	simm.s32 $0xF200  }
0x33e: {  	[tilespmem:s15], [sflag:$0x2] =	stream.indirect_vreg.gather [hbm4b:s3+s2], $0x80, v4, vm0, $0xb8;
	[tilespmem:$0x18200] =	vst v63  }
0x33f: {  	s15 =	simm.s32 $0xFE00  }
0x340: {  	[tilespmem:s15], [sflag:$0x2] =	stream.indirect_vreg.gather [hbm4b:s3+s2], $0x80, v3, vm0, $0xb8;
	[tilespmem:$0x18200] =	vst v63  }
0x341: {  	v3 =	vld [tilespmem:$0x1B0];
	_ =	sdelay $0x4  }
0x342: {  	v43 =	vshrl.u32 v3, $0x3  }
0x343: {  	v4 =	vmul.u32 $0x18, v43  }
0x344: {  	v3 =	vand.u32 $0x7, v3  }
0x345: {  	v3 =	vor.u32 v3, v4  }
0x346: {  	v4 =	vperm.xlane v3, v0;
	_ =	sdelay $0x1  }
0x347: {  	v3 =	vperm.xlane v3, v2;
	v4 =	vadd.s32 v1, v4;
	_ =	sdelay $0x1  }
0x348: {  	v3 =	vadd.s32 v1, v3;
	_ =	sdelay $0x1  }
0x349: {  	s15 =	simm.s32 $0x10A00  }
0x34a: {  	[tilespmem:s15], [sflag:$0x2] =	stream.indirect_vreg.gather [hbm4b:s3+s2], $0x80, v4, vm0, $0xb8;
	[tilespmem:$0x18200] =	vst v63  }
0x34b: {  	s15 =	simm.s32 $0x11600  }
0x34c: {  	[tilespmem:s15], [sflag:$0x2] =	stream.indirect_vreg.gather [hbm4b:s3+s2], $0x80, v3, vm0, $0xb8;
	[tilespmem:$0x18200] =	vst v63  }
0x34d: {  	v3 =	vld [tilespmem:$0x1C0];
	_ =	sdelay $0x4  }
0x34e: {  	v44 =	vshrl.u32 v3, $0x3  }
0x34f: {  	v4 =	vmul.u32 $0x18, v44  }
0x350: {  	v3 =	vand.u32 $0x7, v3  }
0x351: {  	v3 =	vor.u32 v3, v4  }
0x352: {  	v4 =	vperm.xlane v3, v0;
	_ =	sdelay $0x1  }
0x353: {  	v3 =	vperm.xlane v3, v2;
	v4 =	vadd.s32 v1, v4;
	_ =	sdelay $0x1  }
0x354: {  	v3 =	vadd.s32 v1, v3;
	_ =	sdelay $0x1  }
0x355: {  	s15 =	simm.s32 $0x12200  }
0x356: {  	[tilespmem:s15], [sflag:$0x2] =	stream.indirect_vreg.gather [hbm4b:s3+s2], $0x80, v4, vm0, $0xb8;
	[tilespmem:$0x18200] =	vst v63  }
0x357: {  	s15 =	simm.s32 $0x12E00  }
0x358: {  	[tilespmem:s15], [sflag:$0x2] =	stream.indirect_vreg.gather [hbm4b:s3+s2], $0x80, v3, vm0, $0xb8;
	[tilespmem:$0x18200] =	vst v63  }
0x359: {  	v3 =	vld [tilespmem:$0x1D0];
	_ =	sdelay $0x4  }
0x35a: {  	v45 =	vshrl.u32 v3, $0x3  }
0x35b: {  	v4 =	vmul.u32 $0x18, v45  }
0x35c: {  	v3 =	vand.u32 $0x7, v3  }
0x35d: {  	v3 =	vor.u32 v3, v4  }
0x35e: {  	v4 =	vperm.xlane v3, v0;
	_ =	sdelay $0x1  }
0x35f: {  	v3 =	vperm.xlane v3, v2;
	v4 =	vadd.s32 v1, v4;
	_ =	sdelay $0x1  }
0x360: {  	v3 =	vadd.s32 v1, v3;
	_ =	sdelay $0x1  }
0x361: {  	s15 =	simm.s32 $0x13A00  }
0x362: {  	[tilespmem:s15], [sflag:$0x2] =	stream.indirect_vreg.gather [hbm4b:s3+s2], $0x80, v4, vm0, $0xb8;
	[tilespmem:$0x18200] =	vst v63  }
0x363: {  	s15 =	simm.s32 $0x14600  }
0x364: {  	[tilespmem:s15], [sflag:$0x2] =	stream.indirect_vreg.gather [hbm4b:s3+s2], $0x80, v3, vm0, $0xb8;
	[tilespmem:$0x18200] =	vst v63  }
0x365: {  	v3 =	vld [tilespmem:$0x1E0];
	_ =	sdelay $0x4  }
0x366: {  	v46 =	vshrl.u32 v3, $0x3  }
0x367: {  	v4 =	vmul.u32 $0x18, v46  }
0x368: {  	v3 =	vand.u32 $0x7, v3  }
0x369: {  	v3 =	vor.u32 v3, v4  }
0x36a: {  	v4 =	vperm.xlane v3, v0;
	_ =	sdelay $0x1  }
0x36b: {  	v3 =	vperm.xlane v3, v2;
	v4 =	vadd.s32 v1, v4;
	_ =	sdelay $0x1  }
0x36c: {  	v3 =	vadd.s32 v1, v3;
	_ =	sdelay $0x1  }
0x36d: {  	s15 =	simm.s32 $0x15200  }
0x36e: {  	[tilespmem:s15], [sflag:$0x2] =	stream.indirect_vreg.gather [hbm4b:s3+s2], $0x80, v4, vm0, $0xb8;
	[tilespmem:$0x18200] =	vst v63  }
0x36f: {  	s15 =	simm.s32 $0x15E00  }
0x370: {  	[tilespmem:s15], [sflag:$0x2] =	stream.indirect_vreg.gather [hbm4b:s3+s2], $0x80, v3, vm0, $0xb8;
	[tilespmem:$0x18200] =	vst v63  }
0x371: {  	v3 =	vld [tilespmem:$0x1F0];
	_ =	sdelay $0x4  }
0x372: {  	v47 =	vshrl.u32 v3, $0x3  }
0x373: {  	v4 =	vmul.u32 $0x18, v47  }
0x374: {  	v3 =	vand.u32 $0x7, v3  }
0x375: {  	v3 =	vor.u32 v3, v4  }
0x376: {  	v4 =	vperm.xlane v3, v0;
	_ =	sdelay $0x1  }
0x377: {  	v3 =	vperm.xlane v3, v2;
	v4 =	vadd.s32 v1, v4;
	_ =	sdelay $0x1  }
0x378: {  	v3 =	vadd.s32 v1, v3;
	_ =	sdelay $0x1  }
0x379: {  	s15 =	simm.s32 $0x16A00  }
0x37a: {  	[tilespmem:s15], [sflag:$0x2] =	stream.indirect_vreg.gather [hbm4b:s3+s2], $0x80, v4, vm0, $0xb8;
	[tilespmem:$0x18200] =	vst v63  }
0x37b: {  	s15 =	simm.s32 $0x17600  }
0x37c: {  	[tilespmem:s15], [sflag:$0x2] =	stream.indirect_vreg.gather [hbm4b:s3+s2], $0x80, v3, vm0, $0xb8;
	[tilespmem:$0x18200] =	vst v63  }
0x37d: {  	v3 =	vld [tilespmem:$0x180];
	_ =	sdelay $0x4  }
0x37e: {  	v48 =	vshrl.u32 v3, $0x3  }
0x37f: {  	v4 =	vmul.u32 $0x18, v48  }
0x380: {  	v3 =	vand.u32 $0x7, v3  }
0x381: {  	v3 =	vor.u32 v3, v4  }
0x382: {  	v4 =	vperm.xlane v3, v0;
	_ =	sdelay $0x1  }
0x383: {  	v3 =	vperm.xlane v3, v2;
	v4 =	vadd.s32 v1, v4;
	_ =	sdelay $0x1  }
0x384: {  	v3 =	vadd.s32 v1, v3;
	_ =	sdelay $0x1  }
0x385: {  	s15 =	simm.s32 $0xC600  }
0x386: {  	[tilespmem:s15], [sflag:$0x2] =	stream.indirect_vreg.gather [hbm4b:s6+s2], $0x80, v4, vm0, $0xb8;
	[tilespmem:$0x18200] =	vst v63  }
0x387: {  	s15 =	simm.s32 $0xD200  }
0x388: {  	[tilespmem:s15], [sflag:$0x2] =	stream.indirect_vreg.gather [hbm4b:s6+s2], $0x80, v3, vm0, $0xb8;
	[tilespmem:$0x18200] =	vst v63  }
0x389: {  	v3 =	vld [tilespmem:$0x190];
	_ =	sdelay $0x4  }
0x38a: {  	v49 =	vshrl.u32 v3, $0x3  }
0x38b: {  	v4 =	vmul.u32 $0x18, v49  }
0x38c: {  	v3 =	vand.u32 $0x7, v3  }
0x38d: {  	v3 =	vor.u32 v3, v4  }
0x38e: {  	v4 =	vperm.xlane v3, v0;
	_ =	sdelay $0x1  }
0x38f: {  	v3 =	vperm.xlane v3, v2;
	v4 =	vadd.s32 v1, v4;
	_ =	sdelay $0x1  }
0x390: {  	v3 =	vadd.s32 v1, v3;
	_ =	sdelay $0x1  }
0x391: {  	s15 =	simm.s32 $0xDE00  }
0x392: {  	[tilespmem:s15], [sflag:$0x2] =	stream.indirect_vreg.gather [hbm4b:s6+s2], $0x80, v4, vm0, $0xb8;
	[tilespmem:$0x18200] =	vst v63  }
0x393: {  	s15 =	simm.s32 $0xEA00  }
0x394: {  	[tilespmem:s15], [sflag:$0x2] =	stream.indirect_vreg.gather [hbm4b:s6+s2], $0x80, v3, vm0, $0xb8;
	[tilespmem:$0x18200] =	vst v63  }
0x395: {  	v3 =	vld [tilespmem:$0x1A0];
	_ =	sdelay $0x4  }
0x396: {  	v50 =	vshrl.u32 v3, $0x3  }
0x397: {  	v4 =	vmul.u32 $0x18, v50  }
0x398: {  	v3 =	vand.u32 $0x7, v3  }
0x399: {  	v3 =	vor.u32 v3, v4  }
0x39a: {  	v4 =	vperm.xlane v3, v0;
	_ =	sdelay $0x1  }
0x39b: {  	v3 =	vperm.xlane v3, v2;
	v4 =	vadd.s32 v1, v4;
	_ =	sdelay $0x1  }
0x39c: {  	v3 =	vadd.s32 v1, v3;
	_ =	sdelay $0x1  }
0x39d: {  	s15 =	simm.s32 $0xF600  }
0x39e: {  	[tilespmem:s15], [sflag:$0x2] =	stream.indirect_vreg.gather [hbm4b:s6+s2], $0x80, v4, vm0, $0xb8;
	[tilespmem:$0x18200] =	vst v63  }
0x39f: {  	s15 =	simm.s32 $0x10200  }
0x3a0: {  	[tilespmem:s15], [sflag:$0x2] =	stream.indirect_vreg.gather [hbm4b:s6+s2], $0x80, v3, vm0, $0xb8;
	[tilespmem:$0x18200] =	vst v63  }
0x3a1: {  	v3 =	vld [tilespmem:$0x1B0];
	_ =	sdelay $0x4  }
0x3a2: {  	v51 =	vshrl.u32 v3, $0x3  }
0x3a3: {  	v4 =	vmul.u32 $0x18, v51  }
0x3a4: {  	v3 =	vand.u32 $0x7, v3  }
0x3a5: {  	v3 =	vor.u32 v3, v4  }
0x3a6: {  	v4 =	vperm.xlane v3, v0;
	_ =	sdelay $0x1  }
0x3a7: {  	v3 =	vperm.xlane v3, v2;
	v4 =	vadd.s32 v1, v4;
	_ =	sdelay $0x1  }
0x3a8: {  	v3 =	vadd.s32 v1, v3;
	_ =	sdelay $0x1  }
0x3a9: {  	s15 =	simm.s32 $0x10E00  }
0x3aa: {  	[tilespmem:s15], [sflag:$0x2] =	stream.indirect_vreg.gather [hbm4b:s6+s2], $0x80, v4, vm0, $0xb8;
	[tilespmem:$0x18200] =	vst v63  }
0x3ab: {  	s15 =	simm.s32 $0x11A00  }
0x3ac: {  	[tilespmem:s15], [sflag:$0x2] =	stream.indirect_vreg.gather [hbm4b:s6+s2], $0x80, v3, vm0, $0xb8;
	[tilespmem:$0x18200] =	vst v63  }
0x3ad: {  	v3 =	vld [tilespmem:$0x1C0];
	_ =	sdelay $0x4  }
0x3ae: {  	v52 =	vshrl.u32 v3, $0x3  }
0x3af: {  	v4 =	vmul.u32 $0x18, v52  }
0x3b0: {  	v3 =	vand.u32 $0x7, v3  }
0x3b1: {  	v3 =	vor.u32 v3, v4  }
0x3b2: {  	v4 =	vperm.xlane v3, v0;
	_ =	sdelay $0x1  }
0x3b3: {  	v3 =	vperm.xlane v3, v2;
	v4 =	vadd.s32 v1, v4;
	_ =	sdelay $0x1  }
0x3b4: {  	v3 =	vadd.s32 v1, v3;
	_ =	sdelay $0x1  }
0x3b5: {  	s15 =	simm.s32 $0x12600  }
0x3b6: {  	[tilespmem:s15], [sflag:$0x2] =	stream.indirect_vreg.gather [hbm4b:s6+s2], $0x80, v4, vm0, $0xb8;
	[tilespmem:$0x18200] =	vst v63  }
0x3b7: {  	s15 =	simm.s32 $0x13200  }
0x3b8: {  	[tilespmem:s15], [sflag:$0x2] =	stream.indirect_vreg.gather [hbm4b:s6+s2], $0x80, v3, vm0, $0xb8;
	[tilespmem:$0x18200] =	vst v63  }
0x3b9: {  	v3 =	vld [tilespmem:$0x1D0];
	_ =	sdelay $0x4  }
0x3ba: {  	v53 =	vshrl.u32 v3, $0x3  }
0x3bb: {  	v4 =	vmul.u32 $0x18, v53  }
0x3bc: {  	v3 =	vand.u32 $0x7, v3  }
0x3bd: {  	v3 =	vor.u32 v3, v4  }
0x3be: {  	v4 =	vperm.xlane v3, v0;
	_ =	sdelay $0x1  }
0x3bf: {  	v3 =	vperm.xlane v3, v2;
	v4 =	vadd.s32 v1, v4;
	_ =	sdelay $0x1  }
0x3c0: {  	v3 =	vadd.s32 v1, v3;
	_ =	sdelay $0x1  }
0x3c1: {  	s15 =	simm.s32 $0x13E00  }
0x3c2: {  	[tilespmem:s15], [sflag:$0x2] =	stream.indirect_vreg.gather [hbm4b:s6+s2], $0x80, v4, vm0, $0xb8;
	[tilespmem:$0x18200] =	vst v63  }
0x3c3: {  	s15 =	simm.s32 $0x14A00  }
0x3c4: {  	[tilespmem:s15], [sflag:$0x2] =	stream.indirect_vreg.gather [hbm4b:s6+s2], $0x80, v3, vm0, $0xb8;
	[tilespmem:$0x18200] =	vst v63  }
0x3c5: {  	v3 =	vld [tilespmem:$0x1E0];
	_ =	sdelay $0x4  }
0x3c6: {  	v54 =	vshrl.u32 v3, $0x3  }
0x3c7: {  	v4 =	vmul.u32 $0x18, v54  }
0x3c8: {  	v3 =	vand.u32 $0x7, v3  }
0x3c9: {  	v3 =	vor.u32 v3, v4  }
0x3ca: {  	v4 =	vperm.xlane v3, v0;
	_ =	sdelay $0x1  }
0x3cb: {  	v3 =	vperm.xlane v3, v2;
	v4 =	vadd.s32 v1, v4;
	_ =	sdelay $0x1  }
0x3cc: {  	v3 =	vadd.s32 v1, v3;
	_ =	sdelay $0x1  }
0x3cd: {  	s15 =	simm.s32 $0x15600  }
0x3ce: {  	[tilespmem:s15], [sflag:$0x2] =	stream.indirect_vreg.gather [hbm4b:s6+s2], $0x80, v4, vm0, $0xb8;
	[tilespmem:$0x18200] =	vst v63  }
0x3cf: {  	s15 =	simm.s32 $0x16200  }
0x3d0: {  	[tilespmem:s15], [sflag:$0x2] =	stream.indirect_vreg.gather [hbm4b:s6+s2], $0x80, v3, vm0, $0xb8;
	[tilespmem:$0x18200] =	vst v63  }
0x3d1: {  	v3 =	vld [tilespmem:$0x1F0];
	_ =	sdelay $0x4  }
0x3d2: {  	v55 =	vshrl.u32 v3, $0x3  }
0x3d3: {  	v4 =	vmul.u32 $0x18, v55  }
0x3d4: {  	v3 =	vand.u32 $0x7, v3  }
0x3d5: {  	v3 =	vor.u32 v3, v4  }
0x3d6: {  	v4 =	vperm.xlane v3, v0;
	_ =	sdelay $0x1  }
0x3d7: {  	v3 =	vperm.xlane v3, v2;
	v4 =	vadd.s32 v1, v4;
	_ =	sdelay $0x1  }
0x3d8: {  	v3 =	vadd.s32 v1, v3;
	_ =	sdelay $0x1  }
0x3d9: {  	s15 =	simm.s32 $0x16E00  }
0x3da: {  	[tilespmem:s15], [sflag:$0x2] =	stream.indirect_vreg.gather [hbm4b:s6+s2], $0x80, v4, vm0, $0xb8;
	[tilespmem:$0x18200] =	vst v63  }
0x3db: {  	s15 =	simm.s32 $0x17A00  }
0x3dc: {  	[tilespmem:s15], [sflag:$0x2] =	stream.indirect_vreg.gather [hbm4b:s6+s2], $0x80, v3, vm0, $0xb8;
	[tilespmem:$0x18200] =	vst v63  }
0x3dd: {  	v3 =	vld [tilespmem:$0x180];
	_ =	sdelay $0x4  }
0x3de: {  	v56 =	vperm.xlane v3, v0;
	_ =	sdelay $0x1  }
0x3df: {  	v3 =	vperm.xlane v3, v2;
	v4 =	vadd.s32 v1, v56;
	_ =	sdelay $0x1  }
0x3e0: {  	v3 =	vadd.s32 v1, v3;
	_ =	sdelay $0x1  }
0x3e1: {  	s15 =	simm.s32 $0xCA00  }
0x3e2: {  	[tilespmem:s15], [sflag:$0x2] =	stream.indirect_vreg.gather [hbm4b:s4+s2], $0x80, v4, vm0, $0xb8;
	[tilespmem:$0x18200] =	vst v63  }
0x3e3: {  	s15 =	simm.s32 $0xD600  }
0x3e4: {  	[tilespmem:s15], [sflag:$0x2] =	stream.indirect_vreg.gather [hbm4b:s4+s2], $0x80, v3, vm0, $0xb8;
	[tilespmem:$0x18200] =	vst v63  }
0x3e5: {  	v3 =	vld [tilespmem:$0x190];
	_ =	sdelay $0x4  }
0x3e6: {  	v57 =	vperm.xlane v3, v0;
	_ =	sdelay $0x1  }
0x3e7: {  	v3 =	vperm.xlane v3, v2;
	v4 =	vadd.s32 v1, v57;
	_ =	sdelay $0x1  }
0x3e8: {  	v3 =	vadd.s32 v1, v3;
	_ =	sdelay $0x1  }
0x3e9: {  	s15 =	simm.s32 $0xE200  }
0x3ea: {  	[tilespmem:s15], [sflag:$0x2] =	stream.indirect_vreg.gather [hbm4b:s4+s2], $0x80, v4, vm0, $0xb8;
	[tilespmem:$0x18200] =	vst v63  }
0x3eb: {  	s15 =	simm.s32 $0xEE00  }
0x3ec: {  	[tilespmem:s15], [sflag:$0x2] =	stream.indirect_vreg.gather [hbm4b:s4+s2], $0x80, v3, vm0, $0xb8;
	[tilespmem:$0x18200] =	vst v63  }
0x3ed: {  	v3 =	vld [tilespmem:$0x1A0];
	_ =	sdelay $0x4  }
0x3ee: {  	v58 =	vperm.xlane v3, v0;
	_ =	sdelay $0x1  }
0x3ef: {  	v3 =	vperm.xlane v3, v2;
	v4 =	vadd.s32 v1, v58;
	_ =	sdelay $0x1  }
0x3f0: {  	v3 =	vadd.s32 v1, v3;
	_ =	sdelay $0x1  }
0x3f1: {  	s15 =	simm.s32 $0xFA00  }
0x3f2: {  	[tilespmem:s15], [sflag:$0x2] =	stream.indirect_vreg.gather [hbm4b:s4+s2], $0x80, v4, vm0, $0xb8;
	[tilespmem:$0x18200] =	vst v63  }
0x3f3: {  	s15 =	simm.s32 $0x10600  }
0x3f4: {  	[tilespmem:s15], [sflag:$0x2] =	stream.indirect_vreg.gather [hbm4b:s4+s2], $0x80, v3, vm0, $0xb8;
	[tilespmem:$0x18200] =	vst v63  }
0x3f5: {  	v3 =	vld [tilespmem:$0x1B0];
	_ =	sdelay $0x4  }
0x3f6: {  	v59 =	vperm.xlane v3, v0;
	_ =	sdelay $0x1  }
0x3f7: {  	v3 =	vperm.xlane v3, v2;
	v4 =	vadd.s32 v1, v59;
	_ =	sdelay $0x1  }
0x3f8: {  	v3 =	vadd.s32 v1, v3;
	_ =	sdelay $0x1  }
0x3f9: {  	s15 =	simm.s32 $0x11200  }
0x3fa: {  	[tilespmem:s15], [sflag:$0x2] =	stream.indirect_vreg.gather [hbm4b:s4+s2], $0x80, v4, vm0, $0xb8;
	[tilespmem:$0x18200] =	vst v63  }
0x3fb: {  	s15 =	simm.s32 $0x11E00  }
0x3fc: {  	[tilespmem:s15], [sflag:$0x2] =	stream.indirect_vreg.gather [hbm4b:s4+s2], $0x80, v3, vm0, $0xb8;
	[tilespmem:$0x18200] =	vst v63  }
0x3fd: {  	v3 =	vld [tilespmem:$0x1C0];
	_ =	sdelay $0x4  }
0x3fe: {  	v60 =	vperm.xlane v3, v0;
	_ =	sdelay $0x1  }
0x3ff: {  	v3 =	vperm.xlane v3, v2;
	v4 =	vadd.s32 v1, v60;
	_ =	sdelay $0x1  }
0x400: {  	v3 =	vadd.s32 v1, v3;
	_ =	sdelay $0x1  }
0x401: {  	s15 =	simm.s32 $0x12A00  }
0x402: {  	[tilespmem:s15], [sflag:$0x2] =	stream.indirect_vreg.gather [hbm4b:s4+s2], $0x80, v4, vm0, $0xb8;
	[tilespmem:$0x18200] =	vst v63  }
0x403: {  	s15 =	simm.s32 $0x13600  }
0x404: {  	[tilespmem:s15], [sflag:$0x2] =	stream.indirect_vreg.gather [hbm4b:s4+s2], $0x80, v3, vm0, $0xb8;
	[tilespmem:$0x18200] =	vst v63  }
0x405: {  	v3 =	vld [tilespmem:$0x1D0];
	_ =	sdelay $0x4  }
0x406: {  	v61 =	vperm.xlane v3, v0;
	_ =	sdelay $0x1  }
0x407: {  	v3 =	vperm.xlane v3, v2;
	v4 =	vadd.s32 v1, v61;
	_ =	sdelay $0x1  }
0x408: {  	v3 =	vadd.s32 v1, v3;
	_ =	sdelay $0x1  }
0x409: {  	s15 =	simm.s32 $0x14200  }
0x40a: {  	[tilespmem:s15], [sflag:$0x2] =	stream.indirect_vreg.gather [hbm4b:s4+s2], $0x80, v4, vm0, $0xb8;
	[tilespmem:$0x18200] =	vst v63  }
0x40b: {  	s15 =	simm.s32 $0x14E00  }
0x40c: {  	[tilespmem:s15], [sflag:$0x2] =	stream.indirect_vreg.gather [hbm4b:s4+s2], $0x80, v3, vm0, $0xb8;
	[tilespmem:$0x18200] =	vst v63  }
0x40d: {  	v3 =	vld [tilespmem:$0x1E0];
	_ =	sdelay $0x4  }
0x40e: {  	v62 =	vperm.xlane v3, v0;
	_ =	sdelay $0x1  }
0x40f: {  	v3 =	vperm.xlane v3, v2;
	v4 =	vadd.s32 v1, v62;
	_ =	sdelay $0x1  }
0x410: {  	v3 =	vadd.s32 v1, v3;
	_ =	sdelay $0x1  }
0x411: {  	s15 =	simm.s32 $0x15A00  }
0x412: {  	[tilespmem:s15], [sflag:$0x2] =	stream.indirect_vreg.gather [hbm4b:s4+s2], $0x80, v4, vm0, $0xb8;
	[tilespmem:$0x18200] =	vst v63  }
0x413: {  	s15 =	simm.s32 $0x16600  }
0x414: {  	[tilespmem:s15], [sflag:$0x2] =	stream.indirect_vreg.gather [hbm4b:s4+s2], $0x80, v3, vm0, $0xb8;
	[tilespmem:$0x18200] =	vst v63  }
0x415: {  	v3 =	vld [tilespmem:$0x1F0];
	_ =	sdelay $0x4  }
0x416: {  	v63 =	vperm.xlane v3, v0;
	_ =	sdelay $0x1  }
0x417: {  	v3 =	vperm.xlane v3, v2;
	v4 =	vadd.s32 v1, v63;
	_ =	sdelay $0x1  }
0x418: {  	v3 =	vadd.s32 v1, v3;
	_ =	sdelay $0x1  }
0x419: {  	s15 =	simm.s32 $0x17200  }
0x41a: {  	[tilespmem:s15], [sflag:$0x2] =	stream.indirect_vreg.gather [hbm4b:s4+s2], $0x80, v4, vm0, $0xb8;
	[tilespmem:$0x18200] =	vst v63  }
0x41b: {  	s15 =	simm.s32 $0x17E00  }
0x41c: {  	[tilespmem:s15], [sflag:$0x2] =	stream.indirect_vreg.gather [hbm4b:s4+s2], $0x80, v3, vm0, $0xb8;
	[tilespmem:$0x18200] =	vst v63  }
0x41d: {  	_ =	swait.ge [sflag:s13], $0x4000  }
0x41e: {  	[sflag:s13] =	ssyncset.done $0x0  }
0x41f: {  	[sflag:s13] =	ssyncadd.s32 $0xFFFFC000  }
0x420: {  	_ =	swait.ge [sflag:s13], $0x4000  }
0x421: {  	[sflag:s13] =	ssyncset.done $0x0  }
0x422: {  	[sflag:s13] =	ssyncadd.s32 $0xFFFFC000  }
0x423: {  	_ =	swait.ge [sflag:s13], $0x4000  }
0x424: {  	[sflag:s13] =	ssyncset.done $0x0  }
0x425: {  	s0 =	simm.s32 $0x200;
	s15 =	rddreg [dreg:$0x6];
	[sflag:s13] =	ssyncadd.s32 $0xFFFFC000  }
0x426: {  	[hbm4b:s15+s2] =	stream.linear.scatter [tilespmem:s0], [sflag:$0x3], $0xC000, $0x38;
	[tilespmem:$0x18200] =	vst v63  }
0x427: {  	_ =	swait.ge [sflag:s8], $0xC000  }
0x428: {  	[sflag:s8] =	ssyncset.done $0x0  }
0x429: {  	[sflag:s8] =	ssyncadd.s32 $0xFFFF4000  }
0x42a: {  	_ =	swait.ge [sflag:s14], $0x4000  }
0x42b: {  	[sflag:s14] =	ssyncset.done $0x0  }
0x42c: {  	[sflag:s14] =	ssyncadd.s32 $0xFFFFC000  }
0x42d: {  	_ =	swait.ge [sflag:s14], $0x4000  }
0x42e: {  	[sflag:s14] =	ssyncset.done $0x0  }
0x42f: {  	[sflag:s14] =	ssyncadd.s32 $0xFFFFC000  }
0x430: {  	_ =	swait.ge [sflag:s14], $0x4000  }
0x431: {  	p0 =	sne.s32 s7, $0x1;
	[sflag:s14] =	ssyncset.done $0x0  }
.Ltmp0:
0x432: {  	s0 =	rddreg [dreg:$0x7];
	[sflag:s14] =	ssyncadd.s32 $0xFFFFC000;
	(pc) =	sbr.rel @p0 .LBB2_1-.Ltmp0, $4  }
0x433: {  	[hbm4b:s0+s2] =	stream.linear.scatter [tilespmem:s1], [sflag:$0x3], $0xC000, $0x38;
	[tilespmem:$0x18200] =	vst v63  }
0x434: {  	_ =	swait.ge [sflag:s8], $0xC000  }
0x435: {  	[sflag:s8] =	ssyncset.done $0x0  }
0x436: {  	s7 =	sadd.s32 $0xFFFFFFFF, s7;
	[sflag:s8] =	ssyncadd.s32 $0xFFFF4000  }
0x437: {  	_ =	sfence.sel $0x180000  }
0x438: {  	[bflag:$0x0] =	sbarrier.arrive $0xFFFF  }
0x439: {  	_ =	strace $0x90000047  }
0x43a: {  	s0 =	stileid.u32;
	[bflag:$0x2] =	sbarrier.arrive $0xFFFF  }
0x43b: {  	p0 =	sne.s32 s0, $0x0;
	s0 =	rddreg [dreg:$0x3]  }
0x43c: {  	s0 =	sadd.s32 @!p0 $0x100000, s0  }
0x43d: {  	[sflag:s0] =	ssyncadd.tile.s32 @!p0 $0x1;
	_ =	shalt  }
.Lfunc_end2:
_tile_overlayer_lowered:
.L_overlay_start_2:
0x43e: {  	(tag) =	ssettag $0x2  }
0x43f: {  	s0 =	rddreg [dreg:$0x0];
	s2 =	stileid.u32  }
0x440: {  	s1 =	rddreg [dreg:$0x1];
	p0 =	sne.s32 s2, $0x0  }
0x441: {  	s3 =	rddreg [dreg:$0x2];
	[bflag:$0x3] =	sbarrier.arrive $0xFFFF;
	s2 =	simm.s32 @!p0 $0x1C03  }
0x442: {  	[timem:s3], [sflag:s2] =	dma.local @!p0 [hbm:s0], s1  }
0x443: {  	s0 =	simm.s32 @!p0 $0x3  }
0x444: {  	_ =	swait.ge @!p0 [sflag:s0], s1  }
0x445: {  	s1 =	ssub.s32 @!p0 $0x0, s1;
	[sflag:s0] =	ssyncset.done @!p0 $0x0  }
0x446: {  	[sflag:s0] =	ssyncadd.s32 @!p0 s1  }
0x447: {  	[bflag:$0x3] =	sbarrier.arrive $0xFFFF  }
0x448: {  	_ =	shalt  }

</sc_bundles>
